<compile_context>
chip_gen: v7x
topology: tpu7x:2x2x1
jax: 0.10.2.dev20260603
libtpu: 0.0.44.dev20260713+nightly
codegen_flags: <defaults>
</compile_context>

<pallas_src>
import functools

import jax
import jax.numpy as jnp
from jax import lax
from jax.experimental import pallas as pl
from jax.experimental.pallas import tpu as pltpu
from jax.experimental.pallas import tpu_sc as plsc

TIMESTEPS = 1000
EMBED_DIM = 128
BATCH = 16384

_NC = 2
_NS = 16
_NW = _NC * _NS
_BPW = BATCH // _NW
_CHUNK = 64
_NCHUNK = _BPW // _CHUNK
_TROWS = 64


@functools.partial(
    pl.kernel,
    mesh=plsc.VectorSubcoreMesh(core_axis_name="c", subcore_axis_name="s"),
    out_type=jax.ShapeDtypeStruct((BATCH, EMBED_DIM), jnp.float32),
    scratch_types=[
        pltpu.VMEM((_BPW,), jnp.int32),
        pltpu.VMEM((_BPW, EMBED_DIM), jnp.float32),
        pltpu.VMEM_SHARED((TIMESTEPS, EMBED_DIM), jnp.float32),
        pltpu.SemaphoreType.DMA,
        pltpu.SemaphoreType.DMA,
        pltpu.SemaphoreType.DMA,
        pltpu.SemaphoreType.DMA,
        pltpu.SemaphoreType.DMA,
        pltpu.SemaphoreType.DMA,
        pltpu.SemaphoreType.DMA,
        pltpu.SemaphoreType.DMA,
        pltpu.SemaphoreType.DMA,
    ],
)
def _gather_kernel(table_hbm, idx_hbm, out_hbm, idx_v, rows_v, tbl_s,
                   g0, g1, g2, g3, g4, g5, g6, g7, wb_sem):
    gsems = [g0, g1, g2, g3, g4, g5, g6, g7]
    sid = lax.axis_index("s")
    wid = sid * _NC + lax.axis_index("c")
    base = wid * _BPW
    idx_cp = pltpu.async_copy(idx_hbm.at[pl.ds(base, _BPW)], idx_v, wb_sem)
    toff = pl.multiple_of(sid * _TROWS, _TROWS)
    @pl.when(sid < _NS - 1)
    def _():
        pltpu.sync_copy(
            table_hbm.at[pl.ds(toff, _TROWS)],
            tbl_s.at[pl.ds(toff, _TROWS)],
        )
    @pl.when(sid == _NS - 1)
    def _():
        last = (_NS - 1) * _TROWS
        pltpu.sync_copy(
            table_hbm.at[pl.ds(last, TIMESTEPS - last)],
            tbl_s.at[pl.ds(last, TIMESTEPS - last)],
        )
    idx_cp.wait()
    gathers = [
        pltpu.async_copy(
            table_hbm.at[idx_v.at[pl.ds(0, _CHUNK)]],
            rows_v.at[pl.ds(0, _CHUNK)],
            gsems[0],
        )
    ]
    plsc.subcore_barrier()
    for j in range(1, _NCHUNK):
        gathers.append(
            pltpu.async_copy(
                tbl_s.at[idx_v.at[pl.ds(j * _CHUNK, _CHUNK)]],
                rows_v.at[pl.ds(j * _CHUNK, _CHUNK)],
                gsems[j],
            )
        )
    writebacks = []
    for j in list(range(1, _NCHUNK)) + [0]:
        gathers[j].wait()
        writebacks.append(
            pltpu.async_copy(
                rows_v.at[pl.ds(j * _CHUNK, _CHUNK)],
                out_hbm.at[pl.ds(base + j * _CHUNK, _CHUNK)],
                wb_sem,
            )
        )
    for wb in writebacks:
        wb.wait()


def kernel(t, embed_table):
    return _gather_kernel(embed_table, t)

# --- scband reference (transcript-rebuilt; emitter-appended) ---
"""Pipeline reference for scband-time-embedding-49959059587456 (READ-ONLY COPY).

The authoritative reference and input builder live on the scoring server;
editing this copy changes nothing except your own understanding.
"""

import jax, jax.numpy as jnp
import numpy as np

TIMESTEPS = 1000
EMBED_DIM = 128
BATCH = 16384

def setup_inputs(seed: int = 0) -> dict:
    key = jax.random.key(seed)
    k1, k2 = jax.random.split(key)
    t = jax.random.randint(k1, (BATCH,), 0, TIMESTEPS, dtype=jnp.int64 if jax.config.read('jax_enable_x64') else jnp.int32)
    embed_table = jax.random.normal(k2, (TIMESTEPS, EMBED_DIM), dtype=jnp.float32)
    return {"t": t, "embed_table": embed_table}

def reference(t, embed_table):
    # nn.Embedding forward: gather rows of the table by index
    return jnp.take(embed_table, t, axis=0)

if __name__ == "__main__":
    import jax
    _d = setup_inputs()
    print(jax.jit(kernel)(*tuple(_d.values())))

</pallas_src>

<mosaic_0001>
#map = affine_map<(d0, d1) -> (0, 0)>
#map1 = affine_map<(d0, d1) -> (0)>
module attributes {stable_mosaic.version = 14 : i64} {
  func.func @_gather_kernel(%arg0: i32, %arg1: i32, %arg2: memref<1000x128xf32, #tpu.memory_space<hbm>>, %arg3: memref<16384xi32, #tpu.memory_space<hbm>>, %arg4: memref<16384x128xf32, #tpu.memory_space<hbm>>, %arg5: memref<512xi32, #tpu.memory_space<vmem>>, %arg6: memref<512x128xf32, #tpu.memory_space<vmem>>, %arg7: memref<1000x128xf32, #tpu.memory_space<vmem_shared>>, %arg8: memref<!tpu.dma_semaphore, #tpu.memory_space<semaphore_mem>>, %arg9: memref<!tpu.dma_semaphore, #tpu.memory_space<semaphore_mem>>, %arg10: memref<!tpu.dma_semaphore, #tpu.memory_space<semaphore_mem>>, %arg11: memref<!tpu.dma_semaphore, #tpu.memory_space<semaphore_mem>>, %arg12: memref<!tpu.dma_semaphore, #tpu.memory_space<semaphore_mem>>, %arg13: memref<!tpu.dma_semaphore, #tpu.memory_space<semaphore_mem>>, %arg14: memref<!tpu.dma_semaphore, #tpu.memory_space<semaphore_mem>>, %arg15: memref<!tpu.dma_semaphore, #tpu.memory_space<semaphore_mem>>, %arg16: memref<!tpu.dma_semaphore, #tpu.memory_space<semaphore_mem>>) attributes {dimension_semantics = [#tpu.dimension_semantics<core_parallel>, #tpu.dimension_semantics<subcore_parallel>], iteration_bounds = array<i64: 2, 16>, scalar_prefetch = 0 : i64, scratch_operands = 12 : i64, tpu.core_type = #tpu.core_type<sc_vector_subcore>, window_params = [{transform_indices = #map}, {transform_indices = #map1}, {transform_indices = #map}]} {
    %mul3A = arith.constant 2 : i32
    %mul3A_0 = arith.muli %arg1, %mul3A : i32
    %add3A = arith.addi %mul3A_0, %arg0 : i32
    %mul3A_1 = arith.constant 512 : i32
    %mul3A_2 = arith.muli %add3A, %mul3A_1 : i32
    %dma_start3A = tpu.memref_slice %arg3[%mul3A_2] : memref<16384xi32, #tpu.memory_space<hbm>> -> memref<512xi32, #tpu.memory_space<hbm>>
    %dma_start3A_3 = tpu.memref_slice %arg3[%mul3A_2] : memref<16384xi32, #tpu.memory_space<hbm>> -> memref<512xi32, #tpu.memory_space<hbm>>
    tpu.enqueue_dma source(%dma_start3A_3 : memref<512xi32, #tpu.memory_space<hbm>>) target(%arg5 : memref<512xi32, #tpu.memory_space<vmem>>) target_semaphore(%arg16 : memref<!tpu.dma_semaphore, #tpu.memory_space<semaphore_mem>>)
    %mul3A_4 = arith.constant 64 : i32
    %mul3A_5 = arith.muli %arg1, %mul3A_4 : i32
    %multiple_of3A = tpu.assume_multiple %mul3A_5, 64 : i32
    %lt3A = arith.constant 15 : i32
    %lt3A_6 = arith.cmpi slt, %arg1, %lt3A : i32
    %convert_element_type3A = arith.extui %lt3A_6 : i1 to i32
    %cond3A = arith.constant 0 : i32
    %cond3A_7 = arith.cmpi ne, %convert_element_type3A, %cond3A : i32
    scf.if %cond3A_7 {
      "tpu.region"() ({
        %run_scoped3A = tpu.sem_alloc : memref<!tpu.dma_semaphore, #tpu.memory_space<semaphore_mem>>
        %dma_start3A_317 = arith.constant 0 : i32
        %dma_start3A_318 = tpu.memref_slice %arg7[%multiple_of3A, %dma_start3A_317] : memref<1000x128xf32, #tpu.memory_space<vmem_shared>> -> memref<64x128xf32, #tpu.memory_space<vmem_shared>>
        %dma_start3A_319 = arith.constant 0 : i32
        %dma_start3A_320 = tpu.memref_slice %arg2[%multiple_of3A, %dma_start3A_319] : memref<1000x128xf32, #tpu.memory_space<hbm>> -> memref<64x128xf32, #tpu.memory_space<hbm>>
        tpu.enqueue_dma source(%dma_start3A_320 : memref<64x128xf32, #tpu.memory_space<hbm>>) target(%dma_start3A_318 : memref<64x128xf32, #tpu.memory_space<vmem_shared>>) target_semaphore(%run_scoped3A : memref<!tpu.dma_semaphore, #tpu.memory_space<semaphore_mem>>)
        %dma_wait3A_321 = arith.constant 0 : i32
        %dma_wait3A_322 = tpu.memref_slice %arg7[%multiple_of3A, %dma_wait3A_321] : memref<1000x128xf32, #tpu.memory_space<vmem_shared>> -> memref<64x128xf32, #tpu.memory_space<vmem_shared>>
        %dma_wait3A_323 = arith.constant 0 : i32
        %dma_wait3A_324 = tpu.memref_slice %arg2[%multiple_of3A, %dma_wait3A_323] : memref<1000x128xf32, #tpu.memory_space<hbm>> -> memref<64x128xf32, #tpu.memory_space<hbm>>
        tpu.wait_dma2 semaphore(%run_scoped3A : memref<!tpu.dma_semaphore, #tpu.memory_space<semaphore_mem>>) src(%dma_wait3A_324 : memref<64x128xf32, #tpu.memory_space<hbm>>) dst(%dma_wait3A_322 : memref<64x128xf32, #tpu.memory_space<vmem_shared>>)
        tpu.yield
      }) : () -> ()
    } else {
    }
    %eq3A = arith.constant 15 : i32
    %eq3A_8 = arith.cmpi eq, %arg1, %eq3A : i32
    %convert_element_type3A_9 = arith.extui %eq3A_8 : i1 to i32
    %cond3A_10 = arith.constant 0 : i32
    %cond3A_11 = arith.cmpi ne, %convert_element_type3A_9, %cond3A_10 : i32
    scf.if %cond3A_11 {
      "tpu.region"() ({
        %run_scoped3A = tpu.sem_alloc : memref<!tpu.dma_semaphore, #tpu.memory_space<semaphore_mem>>
        %dma_start3A_317 = arith.constant 960 : i32
        %dma_start3A_318 = arith.constant 0 : i32
        %dma_start3A_319 = tpu.memref_slice %arg7[%dma_start3A_317, %dma_start3A_318] : memref<1000x128xf32, #tpu.memory_space<vmem_shared>> -> memref<40x128xf32, #tpu.memory_space<vmem_shared>>
        %dma_start3A_320 = arith.constant 960 : i32
        %dma_start3A_321 = arith.constant 0 : i32
        %dma_start3A_322 = tpu.memref_slice %arg2[%dma_start3A_320, %dma_start3A_321] : memref<1000x128xf32, #tpu.memory_space<hbm>> -> memref<40x128xf32, #tpu.memory_space<hbm>>
        tpu.enqueue_dma source(%dma_start3A_322 : memref<40x128xf32, #tpu.memory_space<hbm>>) target(%dma_start3A_319 : memref<40x128xf32, #tpu.memory_space<vmem_shared>>) target_semaphore(%run_scoped3A : memref<!tpu.dma_semaphore, #tpu.memory_space<semaphore_mem>>)
        %dma_wait3A_323 = arith.constant 960 : i32
        %dma_wait3A_324 = arith.constant 0 : i32
        %dma_wait3A_325 = tpu.memref_slice %arg7[%dma_wait3A_323, %dma_wait3A_324] : memref<1000x128xf32, #tpu.memory_space<vmem_shared>> -> memref<40x128xf32, #tpu.memory_space<vmem_shared>>
        %dma_wait3A_326 = arith.constant 960 : i32
        %dma_wait3A_327 = arith.constant 0 : i32
        %dma_wait3A_328 = tpu.memref_slice %arg2[%dma_wait3A_326, %dma_wait3A_327] : memref<1000x128xf32, #tpu.memory_space<hbm>> -> memref<40x128xf32, #tpu.memory_space<hbm>>
        tpu.wait_dma2 semaphore(%run_scoped3A : memref<!tpu.dma_semaphore, #tpu.memory_space<semaphore_mem>>) src(%dma_wait3A_328 : memref<40x128xf32, #tpu.memory_space<hbm>>) dst(%dma_wait3A_325 : memref<40x128xf32, #tpu.memory_space<vmem_shared>>)
        tpu.yield
      }) : () -> ()
    } else {
    }
    %dma_wait3A = tpu.memref_slice %arg3[%mul3A_2] : memref<16384xi32, #tpu.memory_space<hbm>> -> memref<512xi32, #tpu.memory_space<hbm>>
    %dma_wait3A_12 = tpu.memref_slice %arg3[%mul3A_2] : memref<16384xi32, #tpu.memory_space<hbm>> -> memref<512xi32, #tpu.memory_space<hbm>>
    tpu.wait_dma2 semaphore(%arg16 : memref<!tpu.dma_semaphore, #tpu.memory_space<semaphore_mem>>) src(%dma_wait3A_12 : memref<512xi32, #tpu.memory_space<hbm>>) dst(%arg5 : memref<512xi32, #tpu.memory_space<vmem>>)
    %dma_start3A_13 = arith.constant 0 : i32
    %dma_start3A_14 = arith.constant 0 : i32
    %dma_start3A_15 = tpu.memref_slice %arg6[%dma_start3A_13, %dma_start3A_14] : memref<512x128xf32, #tpu.memory_space<vmem>> -> memref<64x128xf32, #tpu.memory_space<vmem>>
    %dma_start3A_16 = arith.constant 0 : i32
    %dma_start3A_17 = tpu.memref_slice %arg5[%dma_start3A_16] : memref<512xi32, #tpu.memory_space<vmem>> -> memref<64xi32, #tpu.memory_space<vmem>>
    %dma_start3A_18 = arith.constant 0 : i32
    %dma_start3A_19 = arith.constant 0 : i32
    %dma_start3A_20 = tpu.memref_slice %arg2[%dma_start3A_18, %dma_start3A_19] : memref<1000x128xf32, #tpu.memory_space<hbm>> -> memref<1000x128xf32, #tpu.memory_space<hbm>>
    tpu.enqueue_indirect_dma source(%dma_start3A_20 : memref<1000x128xf32, #tpu.memory_space<hbm>>) target(%dma_start3A_15 : memref<64x128xf32, #tpu.memory_space<vmem>>) offsets(%dma_start3A_17 : memref<64xi32, #tpu.memory_space<vmem>>) semaphore(%arg8 : memref<!tpu.dma_semaphore, #tpu.memory_space<semaphore_mem>>)
    %barrier3A = arith.constant 0 : index
    tpu.barrier barrier_id(%barrier3A)
    %dma_start3A_21 = arith.constant 64 : i32
    %dma_start3A_22 = arith.constant 0 : i32
    %dma_start3A_23 = tpu.memref_slice %arg6[%dma_start3A_21, %dma_start3A_22] : memref<512x128xf32, #tpu.memory_space<vmem>> -> memref<64x128xf32, #tpu.memory_space<vmem>>
    %dma_start3A_24 = arith.constant 64 : i32
    %dma_start3A_25 = tpu.memref_slice %arg5[%dma_start3A_24] : memref<512xi32, #tpu.memory_space<vmem>> -> memref<64xi32, #tpu.memory_space<vmem>>
    %dma_start3A_26 = arith.constant 0 : i32
    %dma_start3A_27 = arith.constant 0 : i32
    %dma_start3A_28 = tpu.memref_slice %arg7[%dma_start3A_26, %dma_start3A_27] : memref<1000x128xf32, #tpu.memory_space<vmem_shared>> -> memref<1000x128xf32, #tpu.memory_space<vmem_shared>>
    tpu.enqueue_indirect_dma source(%dma_start3A_28 : memref<1000x128xf32, #tpu.memory_space<vmem_shared>>) target(%dma_start3A_23 : memref<64x128xf32, #tpu.memory_space<vmem>>) offsets(%dma_start3A_25 : memref<64xi32, #tpu.memory_space<vmem>>) semaphore(%arg9 : memref<!tpu.dma_semaphore, #tpu.memory_space<semaphore_mem>>)
    %dma_start3A_29 = arith.constant 128 : i32
    %dma_start3A_30 = arith.constant 0 : i32
    %dma_start3A_31 = tpu.memref_slice %arg6[%dma_start3A_29, %dma_start3A_30] : memref<512x128xf32, #tpu.memory_space<vmem>> -> memref<64x128xf32, #tpu.memory_space<vmem>>
    %dma_start3A_32 = arith.constant 128 : i32
    %dma_start3A_33 = tpu.memref_slice %arg5[%dma_start3A_32] : memref<512xi32, #tpu.memory_space<vmem>> -> memref<64xi32, #tpu.memory_space<vmem>>
    %dma_start3A_34 = arith.constant 0 : i32
    %dma_start3A_35 = arith.constant 0 : i32
    %dma_start3A_36 = tpu.memref_slice %arg7[%dma_start3A_34, %dma_start3A_35] : memref<1000x128xf32, #tpu.memory_space<vmem_shared>> -> memref<1000x128xf32, #tpu.memory_space<vmem_shared>>
    tpu.enqueue_indirect_dma source(%dma_start3A_36 : memref<1000x128xf32, #tpu.memory_space<vmem_shared>>) target(%dma_start3A_31 : memref<64x128xf32, #tpu.memory_space<vmem>>) offsets(%dma_start3A_33 : memref<64xi32, #tpu.memory_space<vmem>>) semaphore(%arg10 : memref<!tpu.dma_semaphore, #tpu.memory_space<semaphore_mem>>)
    %dma_start3A_37 = arith.constant 192 : i32
    %dma_start3A_38 = arith.constant 0 : i32
    %dma_start3A_39 = tpu.memref_slice %arg6[%dma_start3A_37, %dma_start3A_38] : memref<512x128xf32, #tpu.memory_space<vmem>> -> memref<64x128xf32, #tpu.memory_space<vmem>>
    %dma_start3A_40 = arith.constant 192 : i32
    %dma_start3A_41 = tpu.memref_slice %arg5[%dma_start3A_40] : memref<512xi32, #tpu.memory_space<vmem>> -> memref<64xi32, #tpu.memory_space<vmem>>
    %dma_start3A_42 = arith.constant 0 : i32
    %dma_start3A_43 = arith.constant 0 : i32
    %dma_start3A_44 = tpu.memref_slice %arg7[%dma_start3A_42, %dma_start3A_43] : memref<1000x128xf32, #tpu.memory_space<vmem_shared>> -> memref<1000x128xf32, #tpu.memory_space<vmem_shared>>
    tpu.enqueue_indirect_dma source(%dma_start3A_44 : memref<1000x128xf32, #tpu.memory_space<vmem_shared>>) target(%dma_start3A_39 : memref<64x128xf32, #tpu.memory_space<vmem>>) offsets(%dma_start3A_41 : memref<64xi32, #tpu.memory_space<vmem>>) semaphore(%arg11 : memref<!tpu.dma_semaphore, #tpu.memory_space<semaphore_mem>>)
    %dma_start3A_45 = arith.constant 256 : i32
    %dma_start3A_46 = arith.constant 0 : i32
    %dma_start3A_47 = tpu.memref_slice %arg6[%dma_start3A_45, %dma_start3A_46] : memref<512x128xf32, #tpu.memory_space<vmem>> -> memref<64x128xf32, #tpu.memory_space<vmem>>
    %dma_start3A_48 = arith.constant 256 : i32
    %dma_start3A_49 = tpu.memref_slice %arg5[%dma_start3A_48] : memref<512xi32, #tpu.memory_space<vmem>> -> memref<64xi32, #tpu.memory_space<vmem>>
    %dma_start3A_50 = arith.constant 0 : i32
    %dma_start3A_51 = arith.constant 0 : i32
    %dma_start3A_52 = tpu.memref_slice %arg7[%dma_start3A_50, %dma_start3A_51] : memref<1000x128xf32, #tpu.memory_space<vmem_shared>> -> memref<1000x128xf32, #tpu.memory_space<vmem_shared>>
    tpu.enqueue_indirect_dma source(%dma_start3A_52 : memref<1000x128xf32, #tpu.memory_space<vmem_shared>>) target(%dma_start3A_47 : memref<64x128xf32, #tpu.memory_space<vmem>>) offsets(%dma_start3A_49 : memref<64xi32, #tpu.memory_space<vmem>>) semaphore(%arg12 : memref<!tpu.dma_semaphore, #tpu.memory_space<semaphore_mem>>)
    %dma_start3A_53 = arith.constant 320 : i32
    %dma_start3A_54 = arith.constant 0 : i32
    %dma_start3A_55 = tpu.memref_slice %arg6[%dma_start3A_53, %dma_start3A_54] : memref<512x128xf32, #tpu.memory_space<vmem>> -> memref<64x128xf32, #tpu.memory_space<vmem>>
    %dma_start3A_56 = arith.constant 320 : i32
    %dma_start3A_57 = tpu.memref_slice %arg5[%dma_start3A_56] : memref<512xi32, #tpu.memory_space<vmem>> -> memref<64xi32, #tpu.memory_space<vmem>>
    %dma_start3A_58 = arith.constant 0 : i32
    %dma_start3A_59 = arith.constant 0 : i32
    %dma_start3A_60 = tpu.memref_slice %arg7[%dma_start3A_58, %dma_start3A_59] : memref<1000x128xf32, #tpu.memory_space<vmem_shared>> -> memref<1000x128xf32, #tpu.memory_space<vmem_shared>>
    tpu.enqueue_indirect_dma source(%dma_start3A_60 : memref<1000x128xf32, #tpu.memory_space<vmem_shared>>) target(%dma_start3A_55 : memref<64x128xf32, #tpu.memory_space<vmem>>) offsets(%dma_start3A_57 : memref<64xi32, #tpu.memory_space<vmem>>) semaphore(%arg13 : memref<!tpu.dma_semaphore, #tpu.memory_space<semaphore_mem>>)
    %dma_start3A_61 = arith.constant 384 : i32
    %dma_start3A_62 = arith.constant 0 : i32
    %dma_start3A_63 = tpu.memref_slice %arg6[%dma_start3A_61, %dma_start3A_62] : memref<512x128xf32, #tpu.memory_space<vmem>> -> memref<64x128xf32, #tpu.memory_space<vmem>>
    %dma_start3A_64 = arith.constant 384 : i32
    %dma_start3A_65 = tpu.memref_slice %arg5[%dma_start3A_64] : memref<512xi32, #tpu.memory_space<vmem>> -> memref<64xi32, #tpu.memory_space<vmem>>
    %dma_start3A_66 = arith.constant 0 : i32
    %dma_start3A_67 = arith.constant 0 : i32
    %dma_start3A_68 = tpu.memref_slice %arg7[%dma_start3A_66, %dma_start3A_67] : memref<1000x128xf32, #tpu.memory_space<vmem_shared>> -> memref<1000x128xf32, #tpu.memory_space<vmem_shared>>
    tpu.enqueue_indirect_dma source(%dma_start3A_68 : memref<1000x128xf32, #tpu.memory_space<vmem_shared>>) target(%dma_start3A_63 : memref<64x128xf32, #tpu.memory_space<vmem>>) offsets(%dma_start3A_65 : memref<64xi32, #tpu.memory_space<vmem>>) semaphore(%arg14 : memref<!tpu.dma_semaphore, #tpu.memory_space<semaphore_mem>>)
    %dma_start3A_69 = arith.constant 448 : i32
    %dma_start3A_70 = arith.constant 0 : i32
    %dma_start3A_71 = tpu.memref_slice %arg6[%dma_start3A_69, %dma_start3A_70] : memref<512x128xf32, #tpu.memory_space<vmem>> -> memref<64x128xf32, #tpu.memory_space<vmem>>
    %dma_start3A_72 = arith.constant 448 : i32
    %dma_start3A_73 = tpu.memref_slice %arg5[%dma_start3A_72] : memref<512xi32, #tpu.memory_space<vmem>> -> memref<64xi32, #tpu.memory_space<vmem>>
    %dma_start3A_74 = arith.constant 0 : i32
    %dma_start3A_75 = arith.constant 0 : i32
    %dma_start3A_76 = tpu.memref_slice %arg7[%dma_start3A_74, %dma_start3A_75] : memref<1000x128xf32, #tpu.memory_space<vmem_shared>> -> memref<1000x128xf32, #tpu.memory_space<vmem_shared>>
    tpu.enqueue_indirect_dma source(%dma_start3A_76 : memref<1000x128xf32, #tpu.memory_space<vmem_shared>>) target(%dma_start3A_71 : memref<64x128xf32, #tpu.memory_space<vmem>>) offsets(%dma_start3A_73 : memref<64xi32, #tpu.memory_space<vmem>>) semaphore(%arg15 : memref<!tpu.dma_semaphore, #tpu.memory_space<semaphore_mem>>)
    %dma_wait3A_77 = arith.constant 64 : i32
    %dma_wait3A_78 = arith.constant 0 : i32
    %dma_wait3A_79 = tpu.memref_slice %arg6[%dma_wait3A_77, %dma_wait3A_78] : memref<512x128xf32, #tpu.memory_space<vmem>> -> memref<64x128xf32, #tpu.memory_space<vmem>>
    %dma_wait3A_80 = arith.constant 64 : i32
    %dma_wait3A_81 = tpu.memref_slice %arg5[%dma_wait3A_80] : memref<512xi32, #tpu.memory_space<vmem>> -> memref<64xi32, #tpu.memory_space<vmem>>
    %dma_wait3A_82 = arith.constant 0 : i32
    %dma_wait3A_83 = arith.constant 0 : i32
    %dma_wait3A_84 = tpu.memref_slice %arg7[%dma_wait3A_82, %dma_wait3A_83] : memref<1000x128xf32, #tpu.memory_space<vmem_shared>> -> memref<1000x128xf32, #tpu.memory_space<vmem_shared>>
    tpu.wait_indirect_dma semaphore(%arg9 : memref<!tpu.dma_semaphore, #tpu.memory_space<semaphore_mem>>) src(%dma_wait3A_84 : memref<1000x128xf32, #tpu.memory_space<vmem_shared>>) dst(%dma_wait3A_79 : memref<64x128xf32, #tpu.memory_space<vmem>>)
    %add3A_85 = arith.constant 64 : i32
    %add3A_86 = arith.addi %mul3A_2, %add3A_85 : i32
    %dma_start3A_87 = arith.constant 64 : i32
    %dma_start3A_88 = arith.constant 0 : i32
    %dma_start3A_89 = tpu.memref_slice %arg6[%dma_start3A_87, %dma_start3A_88] : memref<512x128xf32, #tpu.memory_space<vmem>> -> memref<64x128xf32, #tpu.memory_space<vmem>>
    %dma_start3A_90 = arith.constant 0 : i32
    %dma_start3A_91 = tpu.memref_slice %arg4[%add3A_86, %dma_start3A_90] : memref<16384x128xf32, #tpu.memory_space<hbm>> -> memref<64x128xf32, #tpu.memory_space<hbm>>
    %dma_start3A_92 = arith.constant 0 : i32
    %dma_start3A_93 = tpu.memref_slice %arg4[%add3A_86, %dma_start3A_92] : memref<16384x128xf32, #tpu.memory_space<hbm>> -> memref<64x128xf32, #tpu.memory_space<hbm>>
    %dma_start3A_94 = arith.constant 64 : i32
    %dma_start3A_95 = arith.constant 0 : i32
    %dma_start3A_96 = tpu.memref_slice %arg6[%dma_start3A_94, %dma_start3A_95] : memref<512x128xf32, #tpu.memory_space<vmem>> -> memref<64x128xf32, #tpu.memory_space<vmem>>
    tpu.enqueue_dma source(%dma_start3A_96 : memref<64x128xf32, #tpu.memory_space<vmem>>) target(%dma_start3A_93 : memref<64x128xf32, #tpu.memory_space<hbm>>) target_semaphore(%arg16 : memref<!tpu.dma_semaphore, #tpu.memory_space<semaphore_mem>>)
    %dma_wait3A_97 = arith.constant 128 : i32
    %dma_wait3A_98 = arith.constant 0 : i32
    %dma_wait3A_99 = tpu.memref_slice %arg6[%dma_wait3A_97, %dma_wait3A_98] : memref<512x128xf32, #tpu.memory_space<vmem>> -> memref<64x128xf32, #tpu.memory_space<vmem>>
    %dma_wait3A_100 = arith.constant 128 : i32
    %dma_wait3A_101 = tpu.memref_slice %arg5[%dma_wait3A_100] : memref<512xi32, #tpu.memory_space<vmem>> -> memref<64xi32, #tpu.memory_space<vmem>>
    %dma_wait3A_102 = arith.constant 0 : i32
    %dma_wait3A_103 = arith.constant 0 : i32
    %dma_wait3A_104 = tpu.memref_slice %arg7[%dma_wait3A_102, %dma_wait3A_103] : memref<1000x128xf32, #tpu.memory_space<vmem_shared>> -> memref<1000x128xf32, #tpu.memory_space<vmem_shared>>
    tpu.wait_indirect_dma semaphore(%arg10 : memref<!tpu.dma_semaphore, #tpu.memory_space<semaphore_mem>>) src(%dma_wait3A_104 : memref<1000x128xf32, #tpu.memory_space<vmem_shared>>) dst(%dma_wait3A_99 : memref<64x128xf32, #tpu.memory_space<vmem>>)
    %add3A_105 = arith.constant 128 : i32
    %add3A_106 = arith.addi %mul3A_2, %add3A_105 : i32
    %dma_start3A_107 = arith.constant 128 : i32
    %dma_start3A_108 = arith.constant 0 : i32
    %dma_start3A_109 = tpu.memref_slice %arg6[%dma_start3A_107, %dma_start3A_108] : memref<512x128xf32, #tpu.memory_space<vmem>> -> memref<64x128xf32, #tpu.memory_space<vmem>>
    %dma_start3A_110 = arith.constant 0 : i32
    %dma_start3A_111 = tpu.memref_slice %arg4[%add3A_106, %dma_start3A_110] : memref<16384x128xf32, #tpu.memory_space<hbm>> -> memref<64x128xf32, #tpu.memory_space<hbm>>
    %dma_start3A_112 = arith.constant 0 : i32
    %dma_start3A_113 = tpu.memref_slice %arg4[%add3A_106, %dma_start3A_112] : memref<16384x128xf32, #tpu.memory_space<hbm>> -> memref<64x128xf32, #tpu.memory_space<hbm>>
    %dma_start3A_114 = arith.constant 128 : i32
    %dma_start3A_115 = arith.constant 0 : i32
    %dma_start3A_116 = tpu.memref_slice %arg6[%dma_start3A_114, %dma_start3A_115] : memref<512x128xf32, #tpu.memory_space<vmem>> -> memref<64x128xf32, #tpu.memory_space<vmem>>
    tpu.enqueue_dma source(%dma_start3A_116 : memref<64x128xf32, #tpu.memory_space<vmem>>) target(%dma_start3A_113 : memref<64x128xf32, #tpu.memory_space<hbm>>) target_semaphore(%arg16 : memref<!tpu.dma_semaphore, #tpu.memory_space<semaphore_mem>>)
    %dma_wait3A_117 = arith.constant 192 : i32
    %dma_wait3A_118 = arith.constant 0 : i32
    %dma_wait3A_119 = tpu.memref_slice %arg6[%dma_wait3A_117, %dma_wait3A_118] : memref<512x128xf32, #tpu.memory_space<vmem>> -> memref<64x128xf32, #tpu.memory_space<vmem>>
    %dma_wait3A_120 = arith.constant 192 : i32
    %dma_wait3A_121 = tpu.memref_slice %arg5[%dma_wait3A_120] : memref<512xi32, #tpu.memory_space<vmem>> -> memref<64xi32, #tpu.memory_space<vmem>>
    %dma_wait3A_122 = arith.constant 0 : i32
    %dma_wait3A_123 = arith.constant 0 : i32
    %dma_wait3A_124 = tpu.memref_slice %arg7[%dma_wait3A_122, %dma_wait3A_123] : memref<1000x128xf32, #tpu.memory_space<vmem_shared>> -> memref<1000x128xf32, #tpu.memory_space<vmem_shared>>
    tpu.wait_indirect_dma semaphore(%arg11 : memref<!tpu.dma_semaphore, #tpu.memory_space<semaphore_mem>>) src(%dma_wait3A_124 : memref<1000x128xf32, #tpu.memory_space<vmem_shared>>) dst(%dma_wait3A_119 : memref<64x128xf32, #tpu.memory_space<vmem>>)
    %add3A_125 = arith.constant 192 : i32
    %add3A_126 = arith.addi %mul3A_2, %add3A_125 : i32
    %dma_start3A_127 = arith.constant 192 : i32
    %dma_start3A_128 = arith.constant 0 : i32
    %dma_start3A_129 = tpu.memref_slice %arg6[%dma_start3A_127, %dma_start3A_128] : memref<512x128xf32, #tpu.memory_space<vmem>> -> memref<64x128xf32, #tpu.memory_space<vmem>>
    %dma_start3A_130 = arith.constant 0 : i32
    %dma_start3A_131 = tpu.memref_slice %arg4[%add3A_126, %dma_start3A_130] : memref<16384x128xf32, #tpu.memory_space<hbm>> -> memref<64x128xf32, #tpu.memory_space<hbm>>
    %dma_start3A_132 = arith.constant 0 : i32
    %dma_start3A_133 = tpu.memref_slice %arg4[%add3A_126, %dma_start3A_132] : memref<16384x128xf32, #tpu.memory_space<hbm>> -> memref<64x128xf32, #tpu.memory_space<hbm>>
    %dma_start3A_134 = arith.constant 192 : i32
    %dma_start3A_135 = arith.constant 0 : i32
    %dma_start3A_136 = tpu.memref_slice %arg6[%dma_start3A_134, %dma_start3A_135] : memref<512x128xf32, #tpu.memory_space<vmem>> -> memref<64x128xf32, #tpu.memory_space<vmem>>
    tpu.enqueue_dma source(%dma_start3A_136 : memref<64x128xf32, #tpu.memory_space<vmem>>) target(%dma_start3A_133 : memref<64x128xf32, #tpu.memory_space<hbm>>) target_semaphore(%arg16 : memref<!tpu.dma_semaphore, #tpu.memory_space<semaphore_mem>>)
    %dma_wait3A_137 = arith.constant 256 : i32
    %dma_wait3A_138 = arith.constant 0 : i32
    %dma_wait3A_139 = tpu.memref_slice %arg6[%dma_wait3A_137, %dma_wait3A_138] : memref<512x128xf32, #tpu.memory_space<vmem>> -> memref<64x128xf32, #tpu.memory_space<vmem>>
    %dma_wait3A_140 = arith.constant 256 : i32
    %dma_wait3A_141 = tpu.memref_slice %arg5[%dma_wait3A_140] : memref<512xi32, #tpu.memory_space<vmem>> -> memref<64xi32, #tpu.memory_space<vmem>>
    %dma_wait3A_142 = arith.constant 0 : i32
    %dma_wait3A_143 = arith.constant 0 : i32
    %dma_wait3A_144 = tpu.memref_slice %arg7[%dma_wait3A_142, %dma_wait3A_143] : memref<1000x128xf32, #tpu.memory_space<vmem_shared>> -> memref<1000x128xf32, #tpu.memory_space<vmem_shared>>
    tpu.wait_indirect_dma semaphore(%arg12 : memref<!tpu.dma_semaphore, #tpu.memory_space<semaphore_mem>>) src(%dma_wait3A_144 : memref<1000x128xf32, #tpu.memory_space<vmem_shared>>) dst(%dma_wait3A_139 : memref<64x128xf32, #tpu.memory_space<vmem>>)
    %add3A_145 = arith.constant 256 : i32
    %add3A_146 = arith.addi %mul3A_2, %add3A_145 : i32
    %dma_start3A_147 = arith.constant 256 : i32
    %dma_start3A_148 = arith.constant 0 : i32
    %dma_start3A_149 = tpu.memref_slice %arg6[%dma_start3A_147, %dma_start3A_148] : memref<512x128xf32, #tpu.memory_space<vmem>> -> memref<64x128xf32, #tpu.memory_space<vmem>>
    %dma_start3A_150 = arith.constant 0 : i32
    %dma_start3A_151 = tpu.memref_slice %arg4[%add3A_146, %dma_start3A_150] : memref<16384x128xf32, #tpu.memory_space<hbm>> -> memref<64x128xf32, #tpu.memory_space<hbm>>
    %dma_start3A_152 = arith.constant 0 : i32
    %dma_start3A_153 = tpu.memref_slice %arg4[%add3A_146, %dma_start3A_152] : memref<16384x128xf32, #tpu.memory_space<hbm>> -> memref<64x128xf32, #tpu.memory_space<hbm>>
    %dma_start3A_154 = arith.constant 256 : i32
    %dma_start3A_155 = arith.constant 0 : i32
    %dma_start3A_156 = tpu.memref_slice %arg6[%dma_start3A_154, %dma_start3A_155] : memref<512x128xf32, #tpu.memory_space<vmem>> -> memref<64x128xf32, #tpu.memory_space<vmem>>
    tpu.enqueue_dma source(%dma_start3A_156 : memref<64x128xf32, #tpu.memory_space<vmem>>) target(%dma_start3A_153 : memref<64x128xf32, #tpu.memory_space<hbm>>) target_semaphore(%arg16 : memref<!tpu.dma_semaphore, #tpu.memory_space<semaphore_mem>>)
    %dma_wait3A_157 = arith.constant 320 : i32
    %dma_wait3A_158 = arith.constant 0 : i32
    %dma_wait3A_159 = tpu.memref_slice %arg6[%dma_wait3A_157, %dma_wait3A_158] : memref<512x128xf32, #tpu.memory_space<vmem>> -> memref<64x128xf32, #tpu.memory_space<vmem>>
    %dma_wait3A_160 = arith.constant 320 : i32
    %dma_wait3A_161 = tpu.memref_slice %arg5[%dma_wait3A_160] : memref<512xi32, #tpu.memory_space<vmem>> -> memref<64xi32, #tpu.memory_space<vmem>>
    %dma_wait3A_162 = arith.constant 0 : i32
    %dma_wait3A_163 = arith.constant 0 : i32
    %dma_wait3A_164 = tpu.memref_slice %arg7[%dma_wait3A_162, %dma_wait3A_163] : memref<1000x128xf32, #tpu.memory_space<vmem_shared>> -> memref<1000x128xf32, #tpu.memory_space<vmem_shared>>
    tpu.wait_indirect_dma semaphore(%arg13 : memref<!tpu.dma_semaphore, #tpu.memory_space<semaphore_mem>>) src(%dma_wait3A_164 : memref<1000x128xf32, #tpu.memory_space<vmem_shared>>) dst(%dma_wait3A_159 : memref<64x128xf32, #tpu.memory_space<vmem>>)
    %add3A_165 = arith.constant 320 : i32
    %add3A_166 = arith.addi %mul3A_2, %add3A_165 : i32
    %dma_start3A_167 = arith.constant 320 : i32
    %dma_start3A_168 = arith.constant 0 : i32
    %dma_start3A_169 = tpu.memref_slice %arg6[%dma_start3A_167, %dma_start3A_168] : memref<512x128xf32, #tpu.memory_space<vmem>> -> memref<64x128xf32, #tpu.memory_space<vmem>>
    %dma_start3A_170 = arith.constant 0 : i32
    %dma_start3A_171 = tpu.memref_slice %arg4[%add3A_166, %dma_start3A_170] : memref<16384x128xf32, #tpu.memory_space<hbm>> -> memref<64x128xf32, #tpu.memory_space<hbm>>
    %dma_start3A_172 = arith.constant 0 : i32
    %dma_start3A_173 = tpu.memref_slice %arg4[%add3A_166, %dma_start3A_172] : memref<16384x128xf32, #tpu.memory_space<hbm>> -> memref<64x128xf32, #tpu.memory_space<hbm>>
    %dma_start3A_174 = arith.constant 320 : i32
    %dma_start3A_175 = arith.constant 0 : i32
    %dma_start3A_176 = tpu.memref_slice %arg6[%dma_start3A_174, %dma_start3A_175] : memref<512x128xf32, #tpu.memory_space<vmem>> -> memref<64x128xf32, #tpu.memory_space<vmem>>
    tpu.enqueue_dma source(%dma_start3A_176 : memref<64x128xf32, #tpu.memory_space<vmem>>) target(%dma_start3A_173 : memref<64x128xf32, #tpu.memory_space<hbm>>) target_semaphore(%arg16 : memref<!tpu.dma_semaphore, #tpu.memory_space<semaphore_mem>>)
    %dma_wait3A_177 = arith.constant 384 : i32
    %dma_wait3A_178 = arith.constant 0 : i32
    %dma_wait3A_179 = tpu.memref_slice %arg6[%dma_wait3A_177, %dma_wait3A_178] : memref<512x128xf32, #tpu.memory_space<vmem>> -> memref<64x128xf32, #tpu.memory_space<vmem>>
    %dma_wait3A_180 = arith.constant 384 : i32
    %dma_wait3A_181 = tpu.memref_slice %arg5[%dma_wait3A_180] : memref<512xi32, #tpu.memory_space<vmem>> -> memref<64xi32, #tpu.memory_space<vmem>>
    %dma_wait3A_182 = arith.constant 0 : i32
    %dma_wait3A_183 = arith.constant 0 : i32
    %dma_wait3A_184 = tpu.memref_slice %arg7[%dma_wait3A_182, %dma_wait3A_183] : memref<1000x128xf32, #tpu.memory_space<vmem_shared>> -> memref<1000x128xf32, #tpu.memory_space<vmem_shared>>
    tpu.wait_indirect_dma semaphore(%arg14 : memref<!tpu.dma_semaphore, #tpu.memory_space<semaphore_mem>>) src(%dma_wait3A_184 : memref<1000x128xf32, #tpu.memory_space<vmem_shared>>) dst(%dma_wait3A_179 : memref<64x128xf32, #tpu.memory_space<vmem>>)
    %add3A_185 = arith.constant 384 : i32
    %add3A_186 = arith.addi %mul3A_2, %add3A_185 : i32
    %dma_start3A_187 = arith.constant 384 : i32
    %dma_start3A_188 = arith.constant 0 : i32
    %dma_start3A_189 = tpu.memref_slice %arg6[%dma_start3A_187, %dma_start3A_188] : memref<512x128xf32, #tpu.memory_space<vmem>> -> memref<64x128xf32, #tpu.memory_space<vmem>>
    %dma_start3A_190 = arith.constant 0 : i32
    %dma_start3A_191 = tpu.memref_slice %arg4[%add3A_186, %dma_start3A_190] : memref<16384x128xf32, #tpu.memory_space<hbm>> -> memref<64x128xf32, #tpu.memory_space<hbm>>
    %dma_start3A_192 = arith.constant 0 : i32
    %dma_start3A_193 = tpu.memref_slice %arg4[%add3A_186, %dma_start3A_192] : memref<16384x128xf32, #tpu.memory_space<hbm>> -> memref<64x128xf32, #tpu.memory_space<hbm>>
    %dma_start3A_194 = arith.constant 384 : i32
    %dma_start3A_195 = arith.constant 0 : i32
    %dma_start3A_196 = tpu.memref_slice %arg6[%dma_start3A_194, %dma_start3A_195] : memref<512x128xf32, #tpu.memory_space<vmem>> -> memref<64x128xf32, #tpu.memory_space<vmem>>
    tpu.enqueue_dma source(%dma_start3A_196 : memref<64x128xf32, #tpu.memory_space<vmem>>) target(%dma_start3A_193 : memref<64x128xf32, #tpu.memory_space<hbm>>) target_semaphore(%arg16 : memref<!tpu.dma_semaphore, #tpu.memory_space<semaphore_mem>>)
    %dma_wait3A_197 = arith.constant 448 : i32
    %dma_wait3A_198 = arith.constant 0 : i32
    %dma_wait3A_199 = tpu.memref_slice %arg6[%dma_wait3A_197, %dma_wait3A_198] : memref<512x128xf32, #tpu.memory_space<vmem>> -> memref<64x128xf32, #tpu.memory_space<vmem>>
    %dma_wait3A_200 = arith.constant 448 : i32
    %dma_wait3A_201 = tpu.memref_slice %arg5[%dma_wait3A_200] : memref<512xi32, #tpu.memory_space<vmem>> -> memref<64xi32, #tpu.memory_space<vmem>>
    %dma_wait3A_202 = arith.constant 0 : i32
    %dma_wait3A_203 = arith.constant 0 : i32
    %dma_wait3A_204 = tpu.memref_slice %arg7[%dma_wait3A_202, %dma_wait3A_203] : memref<1000x128xf32, #tpu.memory_space<vmem_shared>> -> memref<1000x128xf32, #tpu.memory_space<vmem_shared>>
    tpu.wait_indirect_dma semaphore(%arg15 : memref<!tpu.dma_semaphore, #tpu.memory_space<semaphore_mem>>) src(%dma_wait3A_204 : memref<1000x128xf32, #tpu.memory_space<vmem_shared>>) dst(%dma_wait3A_199 : memref<64x128xf32, #tpu.memory_space<vmem>>)
    %add3A_205 = arith.constant 448 : i32
    %add3A_206 = arith.addi %mul3A_2, %add3A_205 : i32
    %dma_start3A_207 = arith.constant 448 : i32
    %dma_start3A_208 = arith.constant 0 : i32
    %dma_start3A_209 = tpu.memref_slice %arg6[%dma_start3A_207, %dma_start3A_208] : memref<512x128xf32, #tpu.memory_space<vmem>> -> memref<64x128xf32, #tpu.memory_space<vmem>>
    %dma_start3A_210 = arith.constant 0 : i32
    %dma_start3A_211 = tpu.memref_slice %arg4[%add3A_206, %dma_start3A_210] : memref<16384x128xf32, #tpu.memory_space<hbm>> -> memref<64x128xf32, #tpu.memory_space<hbm>>
    %dma_start3A_212 = arith.constant 0 : i32
    %dma_start3A_213 = tpu.memref_slice %arg4[%add3A_206, %dma_start3A_212] : memref<16384x128xf32, #tpu.memory_space<hbm>> -> memref<64x128xf32, #tpu.memory_space<hbm>>
    %dma_start3A_214 = arith.constant 448 : i32
    %dma_start3A_215 = arith.constant 0 : i32
    %dma_start3A_216 = tpu.memref_slice %arg6[%dma_start3A_214, %dma_start3A_215] : memref<512x128xf32, #tpu.memory_space<vmem>> -> memref<64x128xf32, #tpu.memory_space<vmem>>
    tpu.enqueue_dma source(%dma_start3A_216 : memref<64x128xf32, #tpu.memory_space<vmem>>) target(%dma_start3A_213 : memref<64x128xf32, #tpu.memory_space<hbm>>) target_semaphore(%arg16 : memref<!tpu.dma_semaphore, #tpu.memory_space<semaphore_mem>>)
    %dma_wait3A_217 = arith.constant 0 : i32
    %dma_wait3A_218 = arith.constant 0 : i32
    %dma_wait3A_219 = tpu.memref_slice %arg6[%dma_wait3A_217, %dma_wait3A_218] : memref<512x128xf32, #tpu.memory_space<vmem>> -> memref<64x128xf32, #tpu.memory_space<vmem>>
    %dma_wait3A_220 = arith.constant 0 : i32
    %dma_wait3A_221 = tpu.memref_slice %arg5[%dma_wait3A_220] : memref<512xi32, #tpu.memory_space<vmem>> -> memref<64xi32, #tpu.memory_space<vmem>>
    %dma_wait3A_222 = arith.constant 0 : i32
    %dma_wait3A_223 = arith.constant 0 : i32
    %dma_wait3A_224 = tpu.memref_slice %arg2[%dma_wait3A_222, %dma_wait3A_223] : memref<1000x128xf32, #tpu.memory_space<hbm>> -> memref<1000x128xf32, #tpu.memory_space<hbm>>
    tpu.wait_indirect_dma semaphore(%arg8 : memref<!tpu.dma_semaphore, #tpu.memory_space<semaphore_mem>>) src(%dma_wait3A_224 : memref<1000x128xf32, #tpu.memory_space<hbm>>) dst(%dma_wait3A_219 : memref<64x128xf32, #tpu.memory_space<vmem>>)
    %add3A_225 = arith.constant 0 : i32
    %add3A_226 = arith.addi %mul3A_2, %add3A_225 : i32
    %dma_start3A_227 = arith.constant 0 : i32
    %dma_start3A_228 = arith.constant 0 : i32
    %dma_start3A_229 = tpu.memref_slice %arg6[%dma_start3A_227, %dma_start3A_228] : memref<512x128xf32, #tpu.memory_space<vmem>> -> memref<64x128xf32, #tpu.memory_space<vmem>>
    %dma_start3A_230 = arith.constant 0 : i32
    %dma_start3A_231 = tpu.memref_slice %arg4[%add3A_226, %dma_start3A_230] : memref<16384x128xf32, #tpu.memory_space<hbm>> -> memref<64x128xf32, #tpu.memory_space<hbm>>
    %dma_start3A_232 = arith.constant 0 : i32
    %dma_start3A_233 = tpu.memref_slice %arg4[%add3A_226, %dma_start3A_232] : memref<16384x128xf32, #tpu.memory_space<hbm>> -> memref<64x128xf32, #tpu.memory_space<hbm>>
    %dma_start3A_234 = arith.constant 0 : i32
    %dma_start3A_235 = arith.constant 0 : i32
    %dma_start3A_236 = tpu.memref_slice %arg6[%dma_start3A_234, %dma_start3A_235] : memref<512x128xf32, #tpu.memory_space<vmem>> -> memref<64x128xf32, #tpu.memory_space<vmem>>
    tpu.enqueue_dma source(%dma_start3A_236 : memref<64x128xf32, #tpu.memory_space<vmem>>) target(%dma_start3A_233 : memref<64x128xf32, #tpu.memory_space<hbm>>) target_semaphore(%arg16 : memref<!tpu.dma_semaphore, #tpu.memory_space<semaphore_mem>>)
    %dma_wait3A_237 = arith.constant 64 : i32
    %dma_wait3A_238 = arith.constant 0 : i32
    %dma_wait3A_239 = tpu.memref_slice %arg6[%dma_wait3A_237, %dma_wait3A_238] : memref<512x128xf32, #tpu.memory_space<vmem>> -> memref<64x128xf32, #tpu.memory_space<vmem>>
    %dma_wait3A_240 = arith.constant 0 : i32
    %dma_wait3A_241 = tpu.memref_slice %arg4[%add3A_86, %dma_wait3A_240] : memref<16384x128xf32, #tpu.memory_space<hbm>> -> memref<64x128xf32, #tpu.memory_space<hbm>>
    %dma_wait3A_242 = arith.constant 0 : i32
    %dma_wait3A_243 = tpu.memref_slice %arg4[%add3A_86, %dma_wait3A_242] : memref<16384x128xf32, #tpu.memory_space<hbm>> -> memref<64x128xf32, #tpu.memory_space<hbm>>
    %dma_wait3A_244 = arith.constant 64 : i32
    %dma_wait3A_245 = arith.constant 0 : i32
    %dma_wait3A_246 = tpu.memref_slice %arg6[%dma_wait3A_244, %dma_wait3A_245] : memref<512x128xf32, #tpu.memory_space<vmem>> -> memref<64x128xf32, #tpu.memory_space<vmem>>
    tpu.wait_dma2 semaphore(%arg16 : memref<!tpu.dma_semaphore, #tpu.memory_space<semaphore_mem>>) src(%dma_wait3A_246 : memref<64x128xf32, #tpu.memory_space<vmem>>) dst(%dma_wait3A_243 : memref<64x128xf32, #tpu.memory_space<hbm>>)
    %dma_wait3A_247 = arith.constant 128 : i32
    %dma_wait3A_248 = arith.constant 0 : i32
    %dma_wait3A_249 = tpu.memref_slice %arg6[%dma_wait3A_247, %dma_wait3A_248] : memref<512x128xf32, #tpu.memory_space<vmem>> -> memref<64x128xf32, #tpu.memory_space<vmem>>
    %dma_wait3A_250 = arith.constant 0 : i32
    %dma_wait3A_251 = tpu.memref_slice %arg4[%add3A_106, %dma_wait3A_250] : memref<16384x128xf32, #tpu.memory_space<hbm>> -> memref<64x128xf32, #tpu.memory_space<hbm>>
    %dma_wait3A_252 = arith.constant 0 : i32
    %dma_wait3A_253 = tpu.memref_slice %arg4[%add3A_106, %dma_wait3A_252] : memref<16384x128xf32, #tpu.memory_space<hbm>> -> memref<64x128xf32, #tpu.memory_space<hbm>>
    %dma_wait3A_254 = arith.constant 128 : i32
    %dma_wait3A_255 = arith.constant 0 : i32
    %dma_wait3A_256 = tpu.memref_slice %arg6[%dma_wait3A_254, %dma_wait3A_255] : memref<512x128xf32, #tpu.memory_space<vmem>> -> memref<64x128xf32, #tpu.memory_space<vmem>>
    tpu.wait_dma2 semaphore(%arg16 : memref<!tpu.dma_semaphore, #tpu.memory_space<semaphore_mem>>) src(%dma_wait3A_256 : memref<64x128xf32, #tpu.memory_space<vmem>>) dst(%dma_wait3A_253 : memref<64x128xf32, #tpu.memory_space<hbm>>)
    %dma_wait3A_257 = arith.constant 192 : i32
    %dma_wait3A_258 = arith.constant 0 : i32
    %dma_wait3A_259 = tpu.memref_slice %arg6[%dma_wait3A_257, %dma_wait3A_258] : memref<512x128xf32, #tpu.memory_space<vmem>> -> memref<64x128xf32, #tpu.memory_space<vmem>>
    %dma_wait3A_260 = arith.constant 0 : i32
    %dma_wait3A_261 = tpu.memref_slice %arg4[%add3A_126, %dma_wait3A_260] : memref<16384x128xf32, #tpu.memory_space<hbm>> -> memref<64x128xf32, #tpu.memory_space<hbm>>
    %dma_wait3A_262 = arith.constant 0 : i32
    %dma_wait3A_263 = tpu.memref_slice %arg4[%add3A_126, %dma_wait3A_262] : memref<16384x128xf32, #tpu.memory_space<hbm>> -> memref<64x128xf32, #tpu.memory_space<hbm>>
    %dma_wait3A_264 = arith.constant 192 : i32
    %dma_wait3A_265 = arith.constant 0 : i32
    %dma_wait3A_266 = tpu.memref_slice %arg6[%dma_wait3A_264, %dma_wait3A_265] : memref<512x128xf32, #tpu.memory_space<vmem>> -> memref<64x128xf32, #tpu.memory_space<vmem>>
    tpu.wait_dma2 semaphore(%arg16 : memref<!tpu.dma_semaphore, #tpu.memory_space<semaphore_mem>>) src(%dma_wait3A_266 : memref<64x128xf32, #tpu.memory_space<vmem>>) dst(%dma_wait3A_263 : memref<64x128xf32, #tpu.memory_space<hbm>>)
    %dma_wait3A_267 = arith.constant 256 : i32
    %dma_wait3A_268 = arith.constant 0 : i32
    %dma_wait3A_269 = tpu.memref_slice %arg6[%dma_wait3A_267, %dma_wait3A_268] : memref<512x128xf32, #tpu.memory_space<vmem>> -> memref<64x128xf32, #tpu.memory_space<vmem>>
    %dma_wait3A_270 = arith.constant 0 : i32
    %dma_wait3A_271 = tpu.memref_slice %arg4[%add3A_146, %dma_wait3A_270] : memref<16384x128xf32, #tpu.memory_space<hbm>> -> memref<64x128xf32, #tpu.memory_space<hbm>>
    %dma_wait3A_272 = arith.constant 0 : i32
    %dma_wait3A_273 = tpu.memref_slice %arg4[%add3A_146, %dma_wait3A_272] : memref<16384x128xf32, #tpu.memory_space<hbm>> -> memref<64x128xf32, #tpu.memory_space<hbm>>
    %dma_wait3A_274 = arith.constant 256 : i32
    %dma_wait3A_275 = arith.constant 0 : i32
    %dma_wait3A_276 = tpu.memref_slice %arg6[%dma_wait3A_274, %dma_wait3A_275] : memref<512x128xf32, #tpu.memory_space<vmem>> -> memref<64x128xf32, #tpu.memory_space<vmem>>
    tpu.wait_dma2 semaphore(%arg16 : memref<!tpu.dma_semaphore, #tpu.memory_space<semaphore_mem>>) src(%dma_wait3A_276 : memref<64x128xf32, #tpu.memory_space<vmem>>) dst(%dma_wait3A_273 : memref<64x128xf32, #tpu.memory_space<hbm>>)
    %dma_wait3A_277 = arith.constant 320 : i32
    %dma_wait3A_278 = arith.constant 0 : i32
    %dma_wait3A_279 = tpu.memref_slice %arg6[%dma_wait3A_277, %dma_wait3A_278] : memref<512x128xf32, #tpu.memory_space<vmem>> -> memref<64x128xf32, #tpu.memory_space<vmem>>
    %dma_wait3A_280 = arith.constant 0 : i32
    %dma_wait3A_281 = tpu.memref_slice %arg4[%add3A_166, %dma_wait3A_280] : memref<16384x128xf32, #tpu.memory_space<hbm>> -> memref<64x128xf32, #tpu.memory_space<hbm>>
    %dma_wait3A_282 = arith.constant 0 : i32
    %dma_wait3A_283 = tpu.memref_slice %arg4[%add3A_166, %dma_wait3A_282] : memref<16384x128xf32, #tpu.memory_space<hbm>> -> memref<64x128xf32, #tpu.memory_space<hbm>>
    %dma_wait3A_284 = arith.constant 320 : i32
    %dma_wait3A_285 = arith.constant 0 : i32
    %dma_wait3A_286 = tpu.memref_slice %arg6[%dma_wait3A_284, %dma_wait3A_285] : memref<512x128xf32, #tpu.memory_space<vmem>> -> memref<64x128xf32, #tpu.memory_space<vmem>>
    tpu.wait_dma2 semaphore(%arg16 : memref<!tpu.dma_semaphore, #tpu.memory_space<semaphore_mem>>) src(%dma_wait3A_286 : memref<64x128xf32, #tpu.memory_space<vmem>>) dst(%dma_wait3A_283 : memref<64x128xf32, #tpu.memory_space<hbm>>)
    %dma_wait3A_287 = arith.constant 384 : i32
    %dma_wait3A_288 = arith.constant 0 : i32
    %dma_wait3A_289 = tpu.memref_slice %arg6[%dma_wait3A_287, %dma_wait3A_288] : memref<512x128xf32, #tpu.memory_space<vmem>> -> memref<64x128xf32, #tpu.memory_space<vmem>>
    %dma_wait3A_290 = arith.constant 0 : i32
    %dma_wait3A_291 = tpu.memref_slice %arg4[%add3A_186, %dma_wait3A_290] : memref<16384x128xf32, #tpu.memory_space<hbm>> -> memref<64x128xf32, #tpu.memory_space<hbm>>
    %dma_wait3A_292 = arith.constant 0 : i32
    %dma_wait3A_293 = tpu.memref_slice %arg4[%add3A_186, %dma_wait3A_292] : memref<16384x128xf32, #tpu.memory_space<hbm>> -> memref<64x128xf32, #tpu.memory_space<hbm>>
    %dma_wait3A_294 = arith.constant 384 : i32
    %dma_wait3A_295 = arith.constant 0 : i32
    %dma_wait3A_296 = tpu.memref_slice %arg6[%dma_wait3A_294, %dma_wait3A_295] : memref<512x128xf32, #tpu.memory_space<vmem>> -> memref<64x128xf32, #tpu.memory_space<vmem>>
    tpu.wait_dma2 semaphore(%arg16 : memref<!tpu.dma_semaphore, #tpu.memory_space<semaphore_mem>>) src(%dma_wait3A_296 : memref<64x128xf32, #tpu.memory_space<vmem>>) dst(%dma_wait3A_293 : memref<64x128xf32, #tpu.memory_space<hbm>>)
    %dma_wait3A_297 = arith.constant 448 : i32
    %dma_wait3A_298 = arith.constant 0 : i32
    %dma_wait3A_299 = tpu.memref_slice %arg6[%dma_wait3A_297, %dma_wait3A_298] : memref<512x128xf32, #tpu.memory_space<vmem>> -> memref<64x128xf32, #tpu.memory_space<vmem>>
    %dma_wait3A_300 = arith.constant 0 : i32
    %dma_wait3A_301 = tpu.memref_slice %arg4[%add3A_206, %dma_wait3A_300] : memref<16384x128xf32, #tpu.memory_space<hbm>> -> memref<64x128xf32, #tpu.memory_space<hbm>>
    %dma_wait3A_302 = arith.constant 0 : i32
    %dma_wait3A_303 = tpu.memref_slice %arg4[%add3A_206, %dma_wait3A_302] : memref<16384x128xf32, #tpu.memory_space<hbm>> -> memref<64x128xf32, #tpu.memory_space<hbm>>
    %dma_wait3A_304 = arith.constant 448 : i32
    %dma_wait3A_305 = arith.constant 0 : i32
    %dma_wait3A_306 = tpu.memref_slice %arg6[%dma_wait3A_304, %dma_wait3A_305] : memref<512x128xf32, #tpu.memory_space<vmem>> -> memref<64x128xf32, #tpu.memory_space<vmem>>
    tpu.wait_dma2 semaphore(%arg16 : memref<!tpu.dma_semaphore, #tpu.memory_space<semaphore_mem>>) src(%dma_wait3A_306 : memref<64x128xf32, #tpu.memory_space<vmem>>) dst(%dma_wait3A_303 : memref<64x128xf32, #tpu.memory_space<hbm>>)
    %dma_wait3A_307 = arith.constant 0 : i32
    %dma_wait3A_308 = arith.constant 0 : i32
    %dma_wait3A_309 = tpu.memref_slice %arg6[%dma_wait3A_307, %dma_wait3A_308] : memref<512x128xf32, #tpu.memory_space<vmem>> -> memref<64x128xf32, #tpu.memory_space<vmem>>
    %dma_wait3A_310 = arith.constant 0 : i32
    %dma_wait3A_311 = tpu.memref_slice %arg4[%add3A_226, %dma_wait3A_310] : memref<16384x128xf32, #tpu.memory_space<hbm>> -> memref<64x128xf32, #tpu.memory_space<hbm>>
    %dma_wait3A_312 = arith.constant 0 : i32
    %dma_wait3A_313 = tpu.memref_slice %arg4[%add3A_226, %dma_wait3A_312] : memref<16384x128xf32, #tpu.memory_space<hbm>> -> memref<64x128xf32, #tpu.memory_space<hbm>>
    %dma_wait3A_314 = arith.constant 0 : i32
    %dma_wait3A_315 = arith.constant 0 : i32
    %dma_wait3A_316 = tpu.memref_slice %arg6[%dma_wait3A_314, %dma_wait3A_315] : memref<512x128xf32, #tpu.memory_space<vmem>> -> memref<64x128xf32, #tpu.memory_space<vmem>>
    tpu.wait_dma2 semaphore(%arg16 : memref<!tpu.dma_semaphore, #tpu.memory_space<semaphore_mem>>) src(%dma_wait3A_316 : memref<64x128xf32, #tpu.memory_space<vmem>>) dst(%dma_wait3A_313 : memref<64x128xf32, #tpu.memory_space<hbm>>)
    return
  }
}

</mosaic_0001>

<sc_bundles>
// kernel: kernel.3.cloned.1.call-start
scs
__scs_entry_jumppad:
0x0: {  	(pc) =	sbr.rel $0x88, $3  }
0x1: {  	(tag) =	ssettag $0x0;
	lr =	simm.s32 $0x1  }
0x2: {  	[smem:$0x3F9F] =	sst lr;
	_ =	strace $0xD0000000  }
0x3: {  	_ = 	snop  }
0x4: {  	_ = 	snop  }
0x5: {  	_ = 	snop  }
0x6: {  	_ = 	snop  }
0x7: {  	_ = 	snop  }
__scs_overlays_trampoline_lowered:
0x8: {  	[smem:$0x3FAE] =	sst s0  }
0x9: {  	[smem:$0x3FAF] =	sst s1  }
0xa: {  	[smem:$0x3FB0] =	sst s2  }
0xb: {  	[smem:$0x3FB1] =	sst s3  }
0xc: {  	[smem:$0x3FB2] =	sst s4  }
0xd: {  	[smem:$0x3FB3] =	sst s5  }
0xe: {  	[smem:$0x3FB4] =	sst s6  }
0xf: {  	[smem:$0x3FB5] =	sst s7  }
0x10: {  	[smem:$0x3FB6] =	sst s8  }
0x11: {  	[smem:$0x3FB7] =	sst s9;
	s0 =	simm.s32 @!p0 $0x0  }
0x12: {  	s1 =	sld [smem:$0x3F9D];
	s0 =	simm.s32 @p0 $0x1  }
0x13: {  	[smem:$0x3FB8] =	sst s0;
	s0 =	simm.s32 @!p1 $0x0  }
0x14: {  	s2 =	sld [smem:$0x3F9C];
	s0 =	simm.s32 @p1 $0x1  }
0x15: {  	[smem:$0x3FB9] =	sst s0;
	s0 =	simm.s32 @!p2 $0x0  }
0x16: {  	s3 =	sld [smem:$0x3FDB];
	s0 =	simm.s32 @p2 $0x1  }
0x17: {  	s4 =	simm.s32 $0x1BF5;
	[smem:$0x3FBB] =	sst s0  }
0x18: {  	s0 =	sld [smem:$0x3F9E];
	_ =	swait.ge [sflag:s4], $0x0  }
0x19: {  	s7 =	sld [smem:$0x3F9F]  }
0x1a: {  	s8 =	sadd.s32 $0xFFFFE003, lr  }
0x1b: {  	s9 =	sadd.s32 $0xFFFFFEF7, lr;
	s5 =	simm.s32 $0xFFFFFFFF;
	p2 =	slt.u32 s8, $0xFFFFF086  }
0x1c: {  	p1 =	slt.u32 s9, $0xF7A;
	s5 =	simm.s32 @!p2 $0x0  }
0x1d: {  	s5 =	simm.s32 @p1 $0x1;
	p0 =	seq.s32 s7, s2  }
0x1e: {  	s7 =	smul.u32 @!p0 $0xF7A, s2;
	p2 =	seq.s32 @!p0 s5, $0x0  }
0x1f: {  	s9 =	smul.u32 $0xF7A, s1;
	s8 =	simm.s32 @!p0 $0x1BF5;
	p2 =	por !p2, p0  }
0x20: {  	[sflag:s8] =	ssyncset.s32 @!p0 $0xFFFFF086;
	s6 =	sadd.s32 @!p0 s3, s7;
	s7 =	simm.s32 @!p0 $0x108  }
0x21: {  	s3 =	sadd.s32 s3, s9;
	s6 =	sadd.s32 @!p0 $0x88, s6;
	s7 =	simm.s32 @p2 $0x1082  }
0x22: {  	[simem:s7], [sflag:s8] =	dma.local @!p0 [hbm:s6], $0xF7A  }
0x23: {  	s9 =	sor.u32 $0xD0000000, s2;
	s6 =	simm.s32 $0x108;
	_ =	swait.ge @!p0 [sflag:s8], $0x0  }
0x24: {  	s3 =	sadd.s32 $0x88, s3;
	s6 =	simm.s32 @!p1 $0x1082;
	[sflag:s4] =	ssyncset.s32 $0xFFFFF086  }
0x25: {  	[simem:s6], [sflag:s4] =	dma.local [hbm:s3], $0xF7A  }
0x26: {  	[smem:$0x3F9F] =	sst s1;
	(tag) =	ssettag s2;
	_ =	strace s9  }
0x27: {  	s1 =	sld [smem:$0x3FAF]  }
0x28: {  	s2 =	sld [smem:$0x3FB0]  }
0x29: {  	s4 =	sld [smem:$0x3FB2]  }
0x2a: {  	p0 =	seq.s32 s5, $0x0;
	s5 =	sld [smem:$0x3FB3]  }
0x2b: {  	s6 =	sld [smem:$0x3FB4]  }
0x2c: {  	s7 =	sld [smem:$0x3FB5]  }
0x2d: {  	s3 =	simm.s32 $0x108;
	s8 =	sld [smem:$0x3FB6]  }
0x2e: {  	s3 =	simm.s32 @!p0 $0x1082;
	s9 =	sld [smem:$0x3FB7]  }
0x2f: {  	lr =	sadd.s32 s0, s3;
	s0 =	sld [smem:$0x3FAE]  }
0x30: {  	s3 =	sld [smem:$0x3FB1]  }
0x31: {  	[smem:$0x3FBA] =	sst s10  }
0x32: {  	s10 =	sld [smem:$0x3FB8];
	_ =	sdelay $0x3  }
0x33: {  	p0 =	seq.s32 s10, $0x1;
	s10 =	sld [smem:$0x3FBA];
	_ =	sdelay $0x3  }
0x34: {  	[smem:$0x3FBA] =	sst s10  }
0x35: {  	s10 =	sld [smem:$0x3FB9];
	_ =	sdelay $0x3  }
0x36: {  	p1 =	seq.s32 s10, $0x1;
	s10 =	sld [smem:$0x3FBA];
	_ =	sdelay $0x3  }
0x37: {  	[smem:$0x3FBA] =	sst s10  }
0x38: {  	s10 =	sld [smem:$0x3FBB]  }
0x39: {  	_ = 	snop;
	(pc) =	sbr.ind lr, $3  }
0x3a: {  	_ = 	snop  }
0x3b: {  	_ = 	snop  }
0x3c: {  	p2 =	seq.s32 s10, $0x1;
	s10 =	sld [smem:$0x3FBA]  }
0x3d: {  	_ =	shalt  }
0x3e: {  	_ =	shalt  }
0x3f: {  	_ =	shalt  }
0x40: {  	_ =	shalt  }
0x41: {  	_ =	shalt  }
0x42: {  	_ =	shalt  }
0x43: {  	_ =	shalt  }
0x44: {  	_ =	shalt  }
0x45: {  	_ =	shalt  }
0x46: {  	_ =	shalt  }
0x47: {  	_ =	shalt  }
0x48: {  	_ =	shalt  }
0x49: {  	_ =	shalt  }
0x4a: {  	_ =	shalt  }
0x4b: {  	_ =	shalt  }
0x4c: {  	_ =	shalt  }
0x4d: {  	_ =	shalt  }
0x4e: {  	_ =	shalt  }
0x4f: {  	_ =	shalt  }
0x50: {  	_ =	shalt  }
0x51: {  	_ =	shalt  }
0x52: {  	_ =	shalt  }
0x53: {  	_ =	shalt  }
0x54: {  	_ =	shalt  }
0x55: {  	_ =	shalt  }
0x56: {  	_ =	shalt  }
0x57: {  	_ =	shalt  }
0x58: {  	_ =	shalt  }
0x59: {  	_ =	shalt  }
0x5a: {  	_ =	shalt  }
0x5b: {  	_ =	shalt  }
0x5c: {  	_ =	shalt  }
0x5d: {  	_ =	shalt  }
0x5e: {  	_ =	shalt  }
0x5f: {  	_ =	shalt  }
0x60: {  	_ =	shalt  }
0x61: {  	_ =	shalt  }
0x62: {  	_ =	shalt  }
0x63: {  	_ =	shalt  }
0x64: {  	_ =	shalt  }
0x65: {  	_ =	shalt  }
0x66: {  	_ =	shalt  }
0x67: {  	_ =	shalt  }
0x68: {  	_ =	shalt  }
0x69: {  	_ =	shalt  }
0x6a: {  	_ =	shalt  }
0x6b: {  	_ =	shalt  }
0x6c: {  	_ =	shalt  }
0x6d: {  	_ =	shalt  }
0x6e: {  	_ =	shalt  }
0x6f: {  	_ =	shalt  }
0x70: {  	_ =	shalt  }
0x71: {  	_ =	shalt  }
0x72: {  	_ =	shalt  }
0x73: {  	_ =	shalt  }
0x74: {  	_ =	shalt  }
0x75: {  	_ =	shalt  }
0x76: {  	_ =	shalt  }
0x77: {  	_ =	shalt  }
0x78: {  	_ =	shalt  }
0x79: {  	_ =	shalt  }
0x7a: {  	_ =	shalt  }
0x7b: {  	_ =	shalt  }
0x7c: {  	_ =	shalt  }
0x7d: {  	_ =	shalt  }
0x7e: {  	_ =	shalt  }
0x7f: {  	_ =	shalt  }
0x80: {  	_ =	shalt  }
0x81: {  	_ =	shalt  }
0x82: {  	_ =	shalt  }
0x83: {  	_ =	shalt  }
0x84: {  	_ =	shalt  }
0x85: {  	_ =	shalt  }
0x86: {  	_ =	shalt  }
0x87: {  	_ =	shalt  }
.Lfunc_end0:
.L_simem_size_0:
called_computation_lowered:
.L_overlay_start_0:
0x88: {  	s2 =	sld [smem:$0x3FD9]  }
0x89: {  	s3 =	sld [smem:$0x3FFE];
	_ =	sdelay $0x1  }
0x8a: {  	s1 =	srdreg.scid  }
0x8b: {  	s0 =	sand.u32 $0x1, s1  }
0x8c: {  	s18 =	sshll.u32 s0, $0xA;
	s2 =	sadd.s32 s3, s2  }
0x8d: {  	s2 =	sadd.s32 s2, s18  }
0x8e: {  	[smem:$0x3FC6] =	sst s2  }
0x8f: {  	_ = 	snop  }
0x90: {  	s2 =	sld [smem:$0x3FC9]  }
0x91: {  	s19 =	sld [smem:$0x3FC8]  }
0x92: {  	s4 =	sld [smem:$0x3FD0];
	(tm) =	ssettm $0x1  }
0x93: {  	s5 =	sld [smem:$0x3FFB];
	_ =	sdelay $0x3  }
0x94: {  	_ =	strace s5  }
0x95: {  	s5 =	sld [smem:$0x3FFC];
	_ =	sdelay $0x3  }
0x96: {  	_ =	strace s5  }
0x97: {  	s5 =	sld [smem:$0x3FFD];
	_ =	sdelay $0x3  }
0x98: {  	_ =	strace s5  }
0x99: {  	_ =	strace $0x8FFFFFFF  }
0x9a: {  	s20 =	sld [smem:$0x3FDB];
	_ =	sdelay $0x1  }
0x9b: {  	s6 =	simm.s32 $_scs_section_size  }
0x9c: {  	s7 =	simm.s32 $_size__tile_overlayer_lowered;
	s8 =	simm.s32 $_tile_overlayer_lowered  }
0x9d: {  	s23 =	simm.s32 $0x1BFF;
	s22 =	sshll.u32 s8, $0x1;
	s5 =	sadd.s32 s6, s20  }
0x9e: {  	s9 =	simm.s32 $0x0;
	s21 =	sshll.u32 s7, $0x1;
	s7 =	sadd.s32 s22, s5  }
0x9f: {  	[timem:s9], [sflag:s23] =	dma.local [hbm:s7], s21  }
0xa0: {  	_ =	swait.ge [sflag:s23], s21  }
0xa1: {  	s6 =	ssub.s32 $0x0, s21;
	[sflag:s23] =	ssyncset.done $0x0  }
0xa2: {  	[sflag:s23] =	ssyncadd.s32 s6;
	_ =	sdelay $0x1  }
0xa3: {  	s24 =	simm.s32 $0x1B8B  }
0xa4: {  	_ =	swait.ge [sflag:s24], $0x1  }
0xa5: {  	[sflag:s24] =	ssyncset.done $0x0  }
0xa6: {  	s25 =	simm.s32 $0x1B8E;
	[sflag:s24] =	ssyncadd.s32 $0xFFFFFFFF  }
0xa7: {  	s26 =	simm.s32 $execute0_lowered;
	[smem:$0x3FD2] =	sst s25  }
0xa8: {  	s6 =	sshll.u32 s26, $0x1;
	_ =	strace $0x80000046;
	[dreg:$0x1] =	wrdreg $0xFFFFFFFF  }
0xa9: {  	s28 =	simm.s32 $_size_execute0_lowered;
	s5 =	sadd.s32 s5, s6;
	[dreg:$0x0] =	wrdreg $0x0  }
0xaa: {  	s6 =	sshll.u32 s28, $0x1;
	[dreg:$0x2] =	wrdreg s5  }
0xab: {  	[dreg:$0x3] =	wrdreg s6  }
0xac: {  	[dreg:$0x4] =	wrdreg $0xC0  }
0xad: {  	_ =	task [dreg:s9], $0x5FFFF  }
0xae: {  	[dreg:$0x1] =	wrdreg $0xFFFFFFFF  }
0xaf: {  	[dreg:$0x0] =	wrdreg $0x60  }
0xb0: {  	[dreg:$0x2] =	wrdreg s19  }
0xb1: {  	[dreg:$0x3] =	wrdreg s2  }
0xb2: {  	[dreg:$0x4] =	wrdreg s4  }
0xb3: {  	[dreg:$0x5] =	wrdreg $0x102000  }
0xb4: {  	[dreg:$0x6] =	wrdreg $0x9  }
0xb5: {  	_ =	task.clear_ibuf [dreg:s9], $0x7FFFF;
	_ =	strace $0x90000046  }
0xb6: {  	s29 =	simm.s32 $0x9;
	_ =	strace $0x80000048  }
0xb7: {  	_ =	swait.ge [sflag:s29], $0x1  }
0xb8: {  	[sflag:s29] =	ssyncadd.s32 $0xFFFFFFFF  }
0xb9: {  	_ =	strace $0x90000048  }
0xba: {  	_ =	sfence  }
0xbb: {  	s30 =	sld [smem:$0x0];
	_ =	sdelay $0x2  }
0xbc: {  	s31 =	sshll.u32 s1, $0xD;
	s1 =	sshrl.u32 s1, $0x2  }
0xbd: {  	s3 =	sand.u32 $0x4000, s31;
	s1 =	sadd.s32 s1, s30  }
0xbe: {  	s0 =	sor.u32 s3, s0;
	s1 =	sshll.u32 s1, $0x11  }
0xbf: {  	s0 =	sor.u32 s1, s0  }
0xc0: {  	s0 =	sadd.s32 $0x8F2B, s0  }
0xc1: {  	[sflag:s0] =	ssyncadd.remote.s32 $0x1  }
0xc2: {  	_ =	sfence.sel $0xFFFF  }
0xc3: {  	[dreg:$0x0] =	wrdreg $0xFFFFFFFF;
	(pc) =	sbr.abs _section_cstart, $3  }
0xc4: {  	[dreg:$0x1] =	wrdreg $0xFFFFFFFF  }
0xc5: {  	_ =	task.clear_ibuf [dreg:s9], $0x2FFFF;
	_ =	strace $0x9FFFFFFF  }
0xc6: {  	(tm) =	ssettm $0x7FFFFFFF  }
0xc7: {  	_ =	shalt  }
tec
execute0_lowered:
.L_overlay_start_1:
0x0: {  	(tag) =	ssettag $0x1  }
0x1: {  	s2 =	rddreg [dreg:$0x0]  }
0x2: {  	s5 =	rddreg [dreg:$0x1]  }
0x3: {  	s1 =	srdreg.scid;
	s6 =	rddreg [dreg:$0x2]  }
0x4: {  	s0 =	stileid.u32;
	s3 =	rddreg [dreg:$0x3];
	s4 =	simm.s32 $0x0  }
0x5: {  	s25 =	simm.s32 $0x80;
	s1 =	sand.u32 $0x1, s1;
	s7 =	sshll.u32 s0, $0xA  }
0x6: {  	[smem:$0x7FF] =	sst s4;
	s17 =	sadd.s32 $0x3C00, s2;
	s8 =	sshll.u32 s1, $0x9  }
0x7: {  	_ =	strace $0x80000047;
	[dreg:$0x7] =	wrdreg s17;
	s8 =	sor.u32 s8, s7  }
0x8: {  	s15 =	sadd.s32 s2, s7;
	[dreg:$0x12] =	wrdreg s25;
	s9 =	sshrl.u32 s8, $0x3  }
0x9: {  	[dreg:$0x6] =	wrdreg s15;
	s16 =	sshll.u32 s8, $0x4;
	s5 =	sadd.s32 s5, s9  }
0xa: {  	[dreg:$0x5] =	wrdreg s5;
	s5 =	sadd.s32 s6, s16  }
0xb: {  	s6 =	sadd.s32 $0x400, s5;
	s26 =	rddreg [dreg:$0x5]  }
0xc: {  	s18 =	sadd.s32 $0x800, s5;
	[dreg:$0x8] =	wrdreg s6  }
0xd: {  	s19 =	sadd.s32 $0xC00, s5;
	[dreg:$0x9] =	wrdreg s18  }
0xe: {  	s20 =	sadd.s32 $0x1000, s5;
	[dreg:$0xa] =	wrdreg s19  }
0xf: {  	s22 =	sadd.s32 $0x1400, s5;
	[dreg:$0xb] =	wrdreg s20  }
0x10: {  	p0 =	seq.s32 s0, $0xF;
	s23 =	sadd.s32 $0x1800, s5;
	[dreg:$0xc] =	wrdreg s22  }
0x11: {  	s8 =	sadd.s32 $0x1E000, s3;
	s24 =	sadd.s32 $0x1C00, s5;
	[dreg:$0xd] =	wrdreg s23  }
0x12: {  	[dreg:$0xe] =	wrdreg s24;
	s6 =	sshrl.u32 @p0 s8, $0x3  }
0x13: {  	[tilespmem:s4], [sflag:$0x9] =	stream.linear.gather [hbm4b:s26+s4], $0x200, $0x38;
	[tilespmem:$0x12140] =	vst v63  }
0x14: {  	s21 =	sshll.u32 s0, $0xD;
	s8 =	sshll.u32 @!p0 s0, $0x6;
	[dreg:$0x11] =	wrdreg s6  }
0x15: {  	s0 =	simm.s32 $0xC0;
	s6 =	sor.u32 @!p0 $0x1C0A, s8;
	s8 =	rddreg [dreg:$0x7]  }
0x16: {  	[dreg:$0x13] =	wrdreg s0  }
0x17: {  	s7 =	sadd.s32 s21, s3;
	[dreg:$0xf] =	wrdreg s6  }
0x18: {  	s6 =	sshrl.u32 @!p0 s7, $0x3;
	s10 =	rddreg [dreg:$0x11]  }
0x19: {  	s0 =	simm.s32 @p0 $0x1FCA;
	s7 =	simm.s32 @p0 $0xA;
	[dreg:$0x10] =	wrdreg s6  }
0x1a: {  	[spmem:s10], [sflag:s0] =	dma.local @p0 [hbm:s8], $0x280  }
0x1b: {  	_ =	swait.ge @p0 [sflag:s7], $0x280  }
0x1c: {  	s8 =	rddreg [dreg:$0x10]  }
0x1d: {  	s10 =	rddreg [dreg:$0x6];
	[sflag:s7] =	ssyncset.done @p0 $0x0  }
0x1e: {  	s9 =	simm.s32 @!p0 $0xA;
	s11 =	rddreg [dreg:$0xf];
	[sflag:s7] =	ssyncadd.s32 @p0 $0xFFFFFD80  }
0x1f: {  	[spmem:s8], [sflag:s11] =	dma.local @!p0 [hbm:s10], $0x400  }
0x20: {  	_ =	swait.ge @!p0 [sflag:s9], $0x400  }
0x21: {  	[sflag:s9] =	ssyncset.done @!p0 $0x0  }
0x22: {  	s8 =	simm.s32 $0x9;
	[sflag:s9] =	ssyncadd.s32 @!p0 $0xFFFFFC00  }
0x23: {  	_ =	swait.ge [sflag:s8], $0x200  }
0x24: {  	[sflag:s8] =	ssyncset.done $0x0  }
0x25: {  	s10 =	simm.s32 $0x40;
	s11 =	simm.s32 $0x200;
	[sflag:s8] =	ssyncadd.s32 $0xFFFFFE00  }
0x26: {  	[tilespmem:s11], [sflag:$0x1] =	stream.indirect.gather [hbm4b:s2+s10], $0x80, s4, s10, $0xb8;
	[tilespmem:$0x12140] =	vst v63  }
0x27: {  	s12 =	simm.s32 $0x2200;
	[bflag:$0x0] =	sbarrier.arrive $0xFFFF  }
0x28: {  	[tilespmem:s12], [sflag:$0x2] =	stream.indirect.gather [spmem:s3], $0x80, s10, s10, $0xb8;
	[tilespmem:$0x12140] =	vst v63  }
0x29: {  	s13 =	simm.s32 $0x4200;
	s14 =	rddreg [dreg:$0x12]  }
0x2a: {  	[tilespmem:s13], [sflag:$0x3] =	stream.indirect.gather [spmem:s3], $0x80, s14, s10, $0xb8;
	[tilespmem:$0x12140] =	vst v63  }
0x2b: {  	s15 =	rddreg [dreg:$0x13];
	s14 =	simm.s32 $0x6200  }
0x2c: {  	[tilespmem:s14], [sflag:$0x4] =	stream.indirect.gather [spmem:s3], $0x80, s15, s10, $0xb8;
	[tilespmem:$0x12140] =	vst v63  }
0x2d: {  	s16 =	simm.s32 $0x8200;
	s15 =	simm.s32 $0x100  }
0x2e: {  	[tilespmem:s16], [sflag:$0x5] =	stream.indirect.gather [spmem:s3], $0x80, s15, s10, $0xb8;
	[tilespmem:$0x12140] =	vst v63  }
0x2f: {  	s17 =	simm.s32 $0x140;
	s18 =	simm.s32 $0xA200  }
0x30: {  	[tilespmem:s18], [sflag:$0x6] =	stream.indirect.gather [spmem:s3], $0x80, s17, s10, $0xb8;
	[tilespmem:$0x12140] =	vst v63  }
0x31: {  	s19 =	simm.s32 $0x180;
	s20 =	simm.s32 $0xC200  }
0x32: {  	[tilespmem:s20], [sflag:$0x7] =	stream.indirect.gather [spmem:s3], $0x80, s19, s10, $0xb8;
	[tilespmem:$0x12140] =	vst v63  }
0x33: {  	s21 =	simm.s32 $0x1C0;
	s22 =	simm.s32 $0xE200;
	s23 =	simm.s32 $0x2  }
0x34: {  	[tilespmem:s22], [sflag:$0x8] =	stream.indirect.gather [spmem:s3], $0x80, s21, s10, $0xb8;
	[tilespmem:$0x12140] =	vst v63  }
0x35: {  	_ =	swait.ge [sflag:s23], $0x2000  }
0x36: {  	[sflag:s23] =	ssyncset.done $0x0  }
0x37: {  	s24 =	rddreg [dreg:$0x8];
	[sflag:s23] =	ssyncadd.s32 $0xFFFFE000  }
0x38: {  	[hbm4b:s24+s4] =	stream.linear.scatter [tilespmem:s12], [sflag:$0x9], $0x2000, $0x38;
	[tilespmem:$0x12140] =	vst v63  }
0x39: {  	s24 =	simm.s32 $0x3  }
0x3a: {  	_ =	swait.ge [sflag:s24], $0x2000  }
0x3b: {  	[sflag:s24] =	ssyncset.done $0x0  }
0x3c: {  	s25 =	rddreg [dreg:$0x9];
	[sflag:s24] =	ssyncadd.s32 $0xFFFFE000  }
0x3d: {  	[hbm4b:s25+s4] =	stream.linear.scatter [tilespmem:s13], [sflag:$0x9], $0x2000, $0x38;
	[tilespmem:$0x12140] =	vst v63  }
0x3e: {  	s25 =	simm.s32 $0x4  }
0x3f: {  	_ =	swait.ge [sflag:s25], $0x2000  }
0x40: {  	[sflag:s25] =	ssyncset.done $0x0  }
0x41: {  	s26 =	rddreg [dreg:$0xa];
	[sflag:s25] =	ssyncadd.s32 $0xFFFFE000  }
0x42: {  	[hbm4b:s26+s4] =	stream.linear.scatter [tilespmem:s14], [sflag:$0x9], $0x2000, $0x38;
	[tilespmem:$0x12140] =	vst v63  }
0x43: {  	s26 =	simm.s32 $0x5  }
0x44: {  	_ =	swait.ge [sflag:s26], $0x2000  }
0x45: {  	[sflag:s26] =	ssyncset.done $0x0  }
0x46: {  	s28 =	rddreg [dreg:$0xb];
	[sflag:s26] =	ssyncadd.s32 $0xFFFFE000  }
0x47: {  	[hbm4b:s28+s4] =	stream.linear.scatter [tilespmem:s16], [sflag:$0x9], $0x2000, $0x38;
	[tilespmem:$0x12140] =	vst v63  }
0x48: {  	s28 =	simm.s32 $0x6  }
0x49: {  	_ =	swait.ge [sflag:s28], $0x2000  }
0x4a: {  	[sflag:s28] =	ssyncset.done $0x0  }
0x4b: {  	s29 =	rddreg [dreg:$0xc];
	[sflag:s28] =	ssyncadd.s32 $0xFFFFE000  }
0x4c: {  	[hbm4b:s29+s4] =	stream.linear.scatter [tilespmem:s18], [sflag:$0x9], $0x2000, $0x38;
	[tilespmem:$0x12140] =	vst v63  }
0x4d: {  	s29 =	simm.s32 $0x7  }
0x4e: {  	_ =	swait.ge [sflag:s29], $0x2000  }
0x4f: {  	[sflag:s29] =	ssyncset.done $0x0  }
0x50: {  	s30 =	rddreg [dreg:$0xd];
	[sflag:s29] =	ssyncadd.s32 $0xFFFFE000  }
0x51: {  	[hbm4b:s30+s4] =	stream.linear.scatter [tilespmem:s20], [sflag:$0x9], $0x2000, $0x38;
	[tilespmem:$0x12140] =	vst v63  }
0x52: {  	s30 =	simm.s32 $0x8  }
0x53: {  	_ =	swait.ge [sflag:s30], $0x2000  }
0x54: {  	[sflag:s30] =	ssyncset.done $0x0  }
0x55: {  	s31 =	rddreg [dreg:$0xe];
	[sflag:s30] =	ssyncadd.s32 $0xFFFFE000  }
0x56: {  	[hbm4b:s31+s4] =	stream.linear.scatter [tilespmem:s22], [sflag:$0x9], $0x2000, $0x38;
	[tilespmem:$0x12140] =	vst v63  }
0x57: {  	s31 =	simm.s32 $0x1  }
0x58: {  	_ =	swait.ge [sflag:s31], $0x2000  }
0x59: {  	[sflag:s31] =	ssyncset.done $0x0  }
0x5a: {  	[sflag:s31] =	ssyncadd.s32 $0xFFFFE000  }
0x5b: {  	[hbm4b:s5+s4] =	stream.linear.scatter [tilespmem:s11], [sflag:$0x9], $0x2000, $0x38;
	[tilespmem:$0x12140] =	vst v63  }
0x5c: {  	_ =	swait.ge [sflag:s8], $0x2000  }
0x5d: {  	[sflag:s8] =	ssyncset.done $0x0  }
0x5e: {  	[sflag:s8] =	ssyncadd.s32 $0xFFFFE000  }
0x5f: {  	_ =	swait.ge [sflag:s8], $0x2000  }
0x60: {  	[sflag:s8] =	ssyncset.done $0x0  }
0x61: {  	[sflag:s8] =	ssyncadd.s32 $0xFFFFE000  }
0x62: {  	_ =	swait.ge [sflag:s8], $0x2000  }
0x63: {  	[sflag:s8] =	ssyncset.done $0x0  }
0x64: {  	[sflag:s8] =	ssyncadd.s32 $0xFFFFE000  }
0x65: {  	s1 =	ssub.s32 $0x2, s1;
	_ =	swait.ge [sflag:s8], $0x2000  }
0x66: {  	s6 =	sshrl.u32 s1, $0x1;
	[sflag:s8] =	ssyncset.done $0x0  }
0x67: {  	s0 =	ssub.s32 s1, s6;
	[sflag:s8] =	ssyncadd.s32 $0xFFFFE000  }
0x68: {  	s0 =	smax.u32 s0, $0x1;
	_ =	swait.ge [sflag:s8], $0x2000  }
0x69: {  	s1 =	sadd.s32 $0xFFFFFFFF, s0;
	[sflag:s8] =	ssyncset.done $0x0  }
0x6a: {  	p1 =	sne.s32 s1, $0x0;
	[sflag:s8] =	ssyncadd.s32 $0xFFFFE000  }
.Ltmp0:
0x6b: {  	_ =	swait.ge [sflag:s8], $0x2000;
	(pc) =	sbr.rel @!p1 .LBB2_2-.Ltmp0, $4  }
0x6c: {  	[sflag:s8] =	ssyncset.done $0x0  }
0x6d: {  	[sflag:s8] =	ssyncadd.s32 $0xFFFFE000  }
0x6e: {  	_ =	swait.ge [sflag:s8], $0x2000  }
0x6f: {  	[sflag:s8] =	ssyncset.done $0x0  }
.LBB2_1:
0x70: {  	[sflag:s8] =	ssyncadd.s32 $0xFFFFE000  }
0x71: {  	_ =	swait.ge [sflag:s8], $0x2000  }
0x72: {  	s0 =	rddreg [dreg:$0x7];
	[sflag:s8] =	ssyncset.done $0x0  }
0x73: {  	s2 =	rddreg [dreg:$0x5];
	[sflag:s8] =	ssyncadd.s32 $0xFFFFE000  }
0x74: {  	[tilespmem:s4], [sflag:$0x9] =	stream.linear.gather [hbm4b:s2+s4], $0x200, $0x38;
	[tilespmem:$0x12140] =	vst v63  }
0x75: {  	s6 =	rddreg [dreg:$0x11];
	s2 =	simm.s32 @p0 $0x1FCA  }
0x76: {  	[spmem:s6], [sflag:s2] =	dma.local @p0 [hbm:s0], $0x280  }
0x77: {  	_ =	swait.ge @p0 [sflag:s7], $0x280  }
0x78: {  	s0 =	rddreg [dreg:$0x10]  }
0x79: {  	[sflag:s7] =	ssyncset.done @p0 $0x0;
	s2 =	rddreg [dreg:$0x6]  }
0x7a: {  	s6 =	rddreg [dreg:$0xf];
	[sflag:s7] =	ssyncadd.s32 @p0 $0xFFFFFD80  }
0x7b: {  	[spmem:s0], [sflag:s6] =	dma.local @!p0 [hbm:s2], $0x400  }
0x7c: {  	_ =	swait.ge @!p0 [sflag:s9], $0x400  }
0x7d: {  	[sflag:s9] =	ssyncset.done @!p0 $0x0  }
0x7e: {  	[sflag:s9] =	ssyncadd.s32 @!p0 $0xFFFFFC00  }
0x7f: {  	_ =	swait.ge [sflag:s8], $0x200  }
0x80: {  	[sflag:s8] =	ssyncset.done $0x0  }
0x81: {  	[sflag:s8] =	ssyncadd.s32 $0xFFFFFE00  }
0x82: {  	s6 =	rddreg [dreg:$0x0]  }
0x83: {  	[tilespmem:s11], [sflag:$0x1] =	stream.indirect.gather [hbm4b:s6+s10], $0x80, s4, s10, $0xb8;
	[tilespmem:$0x12140] =	vst v63  }
0x84: {  	[bflag:$0x0] =	sbarrier.arrive $0xFFFF  }
0x85: {  	[tilespmem:s12], [sflag:$0x2] =	stream.indirect.gather [spmem:s3], $0x80, s10, s10, $0xb8;
	[tilespmem:$0x12140] =	vst v63  }
0x86: {  	s2 =	rddreg [dreg:$0x12]  }
0x87: {  	[tilespmem:s13], [sflag:$0x3] =	stream.indirect.gather [spmem:s3], $0x80, s2, s10, $0xb8;
	[tilespmem:$0x12140] =	vst v63  }
0x88: {  	s6 =	rddreg [dreg:$0x13]  }
0x89: {  	[tilespmem:s14], [sflag:$0x4] =	stream.indirect.gather [spmem:s3], $0x80, s6, s10, $0xb8;
	[tilespmem:$0x12140] =	vst v63  }
0x8a: {  	_ = 	snop  }
0x8b: {  	[tilespmem:s16], [sflag:$0x5] =	stream.indirect.gather [spmem:s3], $0x80, s15, s10, $0xb8;
	[tilespmem:$0x12140] =	vst v63  }
0x8c: {  	_ = 	snop  }
0x8d: {  	[tilespmem:s18], [sflag:$0x6] =	stream.indirect.gather [spmem:s3], $0x80, s17, s10, $0xb8;
	[tilespmem:$0x12140] =	vst v63  }
0x8e: {  	_ = 	snop  }
0x8f: {  	[tilespmem:s20], [sflag:$0x7] =	stream.indirect.gather [spmem:s3], $0x80, s19, s10, $0xb8;
	[tilespmem:$0x12140] =	vst v63  }
0x90: {  	_ = 	snop  }
0x91: {  	[tilespmem:s22], [sflag:$0x8] =	stream.indirect.gather [spmem:s3], $0x80, s21, s10, $0xb8;
	[tilespmem:$0x12140] =	vst v63  }
0x92: {  	_ =	swait.ge [sflag:s23], $0x2000  }
0x93: {  	[sflag:s23] =	ssyncset.done $0x0  }
0x94: {  	s6 =	rddreg [dreg:$0x8];
	[sflag:s23] =	ssyncadd.s32 $0xFFFFE000  }
0x95: {  	[hbm4b:s6+s4] =	stream.linear.scatter [tilespmem:s12], [sflag:$0x9], $0x2000, $0x38;
	[tilespmem:$0x12140] =	vst v63  }
0x96: {  	_ =	swait.ge [sflag:s24], $0x2000  }
0x97: {  	[sflag:s24] =	ssyncset.done $0x0  }
0x98: {  	s2 =	rddreg [dreg:$0x9];
	[sflag:s24] =	ssyncadd.s32 $0xFFFFE000  }
0x99: {  	[hbm4b:s2+s4] =	stream.linear.scatter [tilespmem:s13], [sflag:$0x9], $0x2000, $0x38;
	[tilespmem:$0x12140] =	vst v63  }
0x9a: {  	_ =	swait.ge [sflag:s25], $0x2000  }
0x9b: {  	[sflag:s25] =	ssyncset.done $0x0  }
0x9c: {  	s6 =	rddreg [dreg:$0xa];
	[sflag:s25] =	ssyncadd.s32 $0xFFFFE000  }
0x9d: {  	[hbm4b:s6+s4] =	stream.linear.scatter [tilespmem:s14], [sflag:$0x9], $0x2000, $0x38;
	[tilespmem:$0x12140] =	vst v63  }
0x9e: {  	_ =	swait.ge [sflag:s26], $0x2000  }
0x9f: {  	[sflag:s26] =	ssyncset.done $0x0  }
0xa0: {  	s2 =	rddreg [dreg:$0xb];
	[sflag:s26] =	ssyncadd.s32 $0xFFFFE000  }
0xa1: {  	[hbm4b:s2+s4] =	stream.linear.scatter [tilespmem:s16], [sflag:$0x9], $0x2000, $0x38;
	[tilespmem:$0x12140] =	vst v63  }
0xa2: {  	_ =	swait.ge [sflag:s28], $0x2000  }
0xa3: {  	[sflag:s28] =	ssyncset.done $0x0  }
0xa4: {  	s6 =	rddreg [dreg:$0xc];
	[sflag:s28] =	ssyncadd.s32 $0xFFFFE000  }
0xa5: {  	[hbm4b:s6+s4] =	stream.linear.scatter [tilespmem:s18], [sflag:$0x9], $0x2000, $0x38;
	[tilespmem:$0x12140] =	vst v63  }
0xa6: {  	_ =	swait.ge [sflag:s29], $0x2000  }
0xa7: {  	[sflag:s29] =	ssyncset.done $0x0  }
0xa8: {  	s2 =	rddreg [dreg:$0xd];
	[sflag:s29] =	ssyncadd.s32 $0xFFFFE000  }
0xa9: {  	[hbm4b:s2+s4] =	stream.linear.scatter [tilespmem:s20], [sflag:$0x9], $0x2000, $0x38;
	[tilespmem:$0x12140] =	vst v63  }
0xaa: {  	_ =	swait.ge [sflag:s30], $0x2000  }
0xab: {  	[sflag:s30] =	ssyncset.done $0x0  }
0xac: {  	s6 =	rddreg [dreg:$0xe];
	[sflag:s30] =	ssyncadd.s32 $0xFFFFE000  }
0xad: {  	[hbm4b:s6+s4] =	stream.linear.scatter [tilespmem:s22], [sflag:$0x9], $0x2000, $0x38;
	[tilespmem:$0x12140] =	vst v63  }
0xae: {  	_ =	swait.ge [sflag:s31], $0x2000  }
0xaf: {  	[sflag:s31] =	ssyncset.done $0x0  }
0xb0: {  	[sflag:s31] =	ssyncadd.s32 $0xFFFFE000  }
0xb1: {  	[hbm4b:s5+s4] =	stream.linear.scatter [tilespmem:s11], [sflag:$0x9], $0x2000, $0x38;
	[tilespmem:$0x12140] =	vst v63  }
0xb2: {  	_ =	swait.ge [sflag:s8], $0x2000  }
0xb3: {  	[sflag:s8] =	ssyncset.done $0x0  }
0xb4: {  	[sflag:s8] =	ssyncadd.s32 $0xFFFFE000  }
0xb5: {  	_ =	swait.ge [sflag:s8], $0x2000  }
0xb6: {  	[sflag:s8] =	ssyncset.done $0x0  }
0xb7: {  	[sflag:s8] =	ssyncadd.s32 $0xFFFFE000  }
0xb8: {  	_ =	swait.ge [sflag:s8], $0x2000  }
0xb9: {  	[sflag:s8] =	ssyncset.done $0x0  }
0xba: {  	[sflag:s8] =	ssyncadd.s32 $0xFFFFE000  }
0xbb: {  	_ =	swait.ge [sflag:s8], $0x2000  }
0xbc: {  	[sflag:s8] =	ssyncset.done $0x0  }
0xbd: {  	[sflag:s8] =	ssyncadd.s32 $0xFFFFE000  }
0xbe: {  	_ =	swait.ge [sflag:s8], $0x2000  }
0xbf: {  	s1 =	sadd.s32 $0xFFFFFFFF, s1;
	[sflag:s8] =	ssyncset.done $0x0  }
0xc0: {  	p1 =	sne.s32 s1, $0x0;
	[sflag:s8] =	ssyncadd.s32 $0xFFFFE000  }
.Ltmp1:
0xc1: {  	_ =	swait.ge [sflag:s8], $0x2000;
	(pc) =	sbr.rel @p1 .LBB2_1-.Ltmp1, $4  }
0xc2: {  	[sflag:s8] =	ssyncset.done $0x0  }
0xc3: {  	[sflag:s8] =	ssyncadd.s32 $0xFFFFE000  }
0xc4: {  	_ =	swait.ge [sflag:s8], $0x2000  }
0xc5: {  	[sflag:s8] =	ssyncset.done $0x0  }
.LBB2_2:
0xc6: {  	[sflag:s8] =	ssyncadd.s32 $0xFFFFE000  }
0xc7: {  	_ =	swait.ge [sflag:s8], $0x2000  }
0xc8: {  	[sflag:s8] =	ssyncset.done $0x0  }
0xc9: {  	[sflag:s8] =	ssyncadd.s32 $0xFFFFE000  }
0xca: {  	_ =	sfence.sel $0x180000  }
0xcb: {  	[bflag:$0x0] =	sbarrier.arrive $0xFFFF  }
0xcc: {  	_ =	strace $0x90000047  }
0xcd: {  	s0 =	stileid.u32;
	[bflag:$0x2] =	sbarrier.arrive $0xFFFF  }
0xce: {  	p0 =	sne.s32 s0, $0x0;
	s0 =	rddreg [dreg:$0x4]  }
0xcf: {  	s0 =	sadd.s32 @!p0 $0x100000, s0  }
0xd0: {  	[sflag:s0] =	ssyncadd.tile.s32 @!p0 $0x1;
	_ =	shalt  }
.Lfunc_end2:
_tile_overlayer_lowered:
.L_overlay_start_2:
0xd1: {  	(tag) =	ssettag $0x2  }
0xd2: {  	s0 =	rddreg [dreg:$0x0];
	s2 =	stileid.u32  }
0xd3: {  	s1 =	rddreg [dreg:$0x1];
	p0 =	sne.s32 s2, $0x0  }
0xd4: {  	s3 =	rddreg [dreg:$0x2];
	[bflag:$0x3] =	sbarrier.arrive $0xFFFF;
	s2 =	simm.s32 @!p0 $0x1C0A  }
0xd5: {  	[timem:s3], [sflag:s2] =	dma.local @!p0 [hbm:s0], s1  }
0xd6: {  	s0 =	simm.s32 @!p0 $0xA  }
0xd7: {  	_ =	swait.ge @!p0 [sflag:s0], s1  }
0xd8: {  	s1 =	ssub.s32 @!p0 $0x0, s1;
	[sflag:s0] =	ssyncset.done @!p0 $0x0  }
0xd9: {  	[sflag:s0] =	ssyncadd.s32 @!p0 s1  }
0xda: {  	[bflag:$0x3] =	sbarrier.arrive $0xFFFF  }
0xdb: {  	_ =	shalt  }

</sc_bundles>
